<compile_context>
chip_gen: v7x
topology: tpu7x:2x2x1
jax: 0.10.2.dev20260603
libtpu: 0.0.44.dev20260713+nightly
codegen_flags: <defaults>
</compile_context>

<pallas_src>
import functools

import jax
import jax.numpy as jnp
from jax import lax
from jax.scipy.linalg import block_diag
from jax.experimental import pallas as pl
from jax.experimental.pallas import tpu as pltpu
from jax.experimental.pallas import tpu_sc as plsc

B = 16384
D = 16
H = 32
NC, NS = 2, 16
NW = NC * NS
BPW = B // NW
L = 16
NVEC = BPW // L
EPW = BPW * D
GC = 128
NCHUNK = BPW // GC
G = B // 8
BG = 1024


@functools.cache
def _make_sc_gather():
    mesh = plsc.VectorSubcoreMesh(
        core_axis_name="c", subcore_axis_name="s", num_cores=NC, num_subcores=NS
    )

    @functools.partial(
        pl.kernel,
        out_type=jax.ShapeDtypeStruct((B * D,), jnp.float32),
        mesh=mesh,
        scratch_types=[
            pltpu.VMEM((BPW * 2,), jnp.float32),
            pltpu.VMEM((NCHUNK, GC), jnp.int32),
            pltpu.VMEM((BPW, D), jnp.float32),
            pltpu.VMEM((EPW,), jnp.float32),
            pltpu.SemaphoreType.DMA,
        ],
        compiler_params=pltpu.CompilerParams(
            use_tc_tiling_on_sc=False, needs_layout_passes=False
        ),
    )
    def sc_gather(x_hbm, table_hbm, out_hbm, x_v, idx_v, rows_v, out_v, sem):
        wid = lax.axis_index("s") * NC + lax.axis_index("c")
        base = wid * BPW
        pltpu.sync_copy(x_hbm.at[pl.ds(base * 2, BPW * 2)], x_v)

        iota = lax.iota(jnp.int32, L)
        iota2 = iota * 2

        @plsc.parallel_loop(0, NVEC, step=1)
        def extract(c):
            cf = plsc.load_gather(x_v, [c * (2 * L) + iota2])
            idx_v[c // (GC // L), pl.ds((c % (GC // L)) * L, L)] = (
                cf.astype(jnp.int32))

        copies = [
            pltpu.async_copy(
                table_hbm.at[idx_v.at[j]], rows_v.at[pl.ds(j * GC, GC)], sem
            )
            for j in range(NCHUNK)
        ]
        for c in copies:
            c.wait()

        @plsc.parallel_loop(0, NVEC, step=1)
        def flatten(c):
            for t in range(L):
                out_v[pl.ds((c * L + t) * D, D)] = rows_v[c * L + t]

        pltpu.sync_copy(out_v, out_hbm.at[pl.ds(wid * EPW, EPW)])

    return sc_gather


def _mlp_body(e_ref, y_ref, w1_ref, wy_ref, b1_ref, w2_ref, b2_ref,
              w3_ref, b3_ref, out_ref):
    h1 = lax.dot_general(e_ref[...], w1_ref[...], (((1,), (0,)), ((), ())),
                         preferred_element_type=jnp.float32)
    h1y = lax.dot_general(y_ref[...], wy_ref[...], (((1,), (0,)), ((), ())),
                          preferred_element_type=jnp.float32)
    h1 = jnp.maximum(h1 + h1y + b1_ref[...], 0.0)
    h2 = lax.dot_general(h1, w2_ref[...], (((1,), (0,)), ((), ())),
                         preferred_element_type=jnp.float32)
    h2 = jnp.maximum(h2 + b2_ref[...], 0.0)
    out = lax.dot_general(h2, w3_ref[...], (((1,), (0,)), ((), ())),
                          preferred_element_type=jnp.float32)
    out_ref[...] = out + b3_ref[0]


def _mlp(e2, y2, w1p, wyp, b1p, w2p, b2p, w3p, b3):
    full = lambda s: pl.BlockSpec(s, lambda i: (0, 0))
    return pl.pallas_call(
        _mlp_body,
        grid=(G // BG,),
        in_specs=[
            pl.BlockSpec((BG, 128), lambda i: (i, 0)),
            pl.BlockSpec((BG, 8), lambda i: (i, 0)),
            full((128, 256)),
            full((8, 256)),
            full((1, 256)),
            full((256, 256)),
            full((1, 256)),
            full((256, 8)),
            pl.BlockSpec(memory_space=pltpu.SMEM),
        ],
        out_specs=pl.BlockSpec((BG, 8), lambda i: (i, 0)),
        out_shape=jax.ShapeDtypeStruct((G, 8), jnp.float32),
    )(e2, y2, w1p, wyp, b1p, w2p, b2p, w3p, b3)


def kernel(x, embed, W1, b1, W2, b2, W3, b3):
    e_flat = _make_sc_gather()(x.reshape(B * 2), embed)
    e2 = e_flat.reshape(G, 8 * D)
    y2 = x[:, 1].reshape(G, 8)
    w1e_t = W1[:, 1:].T
    wy_t = W1[:, 0].reshape(1, H)
    w1p = block_diag(*([w1e_t] * 8))
    wyp = block_diag(*([wy_t] * 8))
    w2p = block_diag(*([W2.T] * 8))
    w3p = block_diag(*([W3.T] * 8))
    b1p = jnp.tile(b1, 8).reshape(1, 8 * H)
    b2p = jnp.tile(b2, 8).reshape(1, 8 * H)
    out = _mlp(e2, y2, w1p, wyp, b1p, w2p, b2p, w3p, b3)
    return out.reshape(B, 1)

# --- scband reference (transcript-rebuilt; emitter-appended) ---
"""Pipeline reference for scband-net-43757126811767 (READ-ONLY COPY).

The authoritative reference and input builder live on the scoring server;
editing this copy changes nothing except your own understanding.
"""

import jax, jax.numpy as jnp
import numpy as np

B = 16384
N_COUNTRIES = 100000
EMBED_DIM = 16
H1, H2 = 32, 32
IN_DIM = EMBED_DIM + 1


def setup_inputs(seed: int = 0) -> dict:
    key = jax.random.key(seed)
    ks = jax.random.split(key, 8)
    # x: column 0 = country index (as float), column 1 = year (integer-valued float)
    x = jax.random.randint(ks[0], (B, 2), 0, N_COUNTRIES).astype(jnp.float32)
    embed = jax.random.normal(ks[1], (N_COUNTRIES, EMBED_DIM), dtype=jnp.float32) * 0.02
    W1 = jax.random.normal(ks[2], (H1, IN_DIM), dtype=jnp.float32) * (1.0 / np.sqrt(IN_DIM))
    b1 = jnp.zeros((H1,), dtype=jnp.float32)
    W2 = jax.random.normal(ks[3], (H2, H1), dtype=jnp.float32) * (1.0 / np.sqrt(H1))
    b2 = jnp.zeros((H2,), dtype=jnp.float32)
    W3 = jax.random.normal(ks[4], (1, H2), dtype=jnp.float32) * (1.0 / np.sqrt(H2))
    b3 = jnp.zeros((1,), dtype=jnp.float32)
    return {"x": x, "embed": embed, "W1": W1, "b1": b1, "W2": W2, "b2": b2, "W3": W3, "b3": b3}


def reference(x, embed, W1, b1, W2, b2, W3, b3):
    # forward: concat year scalar with country embedding, then MLP (dropout=0 -> identity)
    country_idx = x[:, 0].astype(jnp.int32)
    year = x[:, 1].reshape(-1, 1)
    e = jnp.take(embed, country_idx, axis=0)  # SparseCore gather
    h = jnp.concatenate([year, e], axis=1)
    h = jax.nn.relu(h @ W1.T + b1)
    h = jax.nn.relu(h @ W2.T + b2)
    out = h @ W3.T + b3
    return out

if __name__ == "__main__":
    import jax
    _d = setup_inputs()
    print(jax.jit(kernel)(*tuple(_d.values())))

</pallas_src>

<mosaic_0001>
#map = affine_map<(d0, d1) -> (0)>
#map1 = affine_map<(d0, d1) -> (0, 0)>
module attributes {stable_mosaic.version = 14 : i64} {
  func.func @sc_gather(%arg0: i32, %arg1: i32, %arg2: memref<32768xf32, #tpu.memory_space<hbm>>, %arg3: memref<100000x16xf32, #tpu.memory_space<hbm>>, %arg4: memref<262144xf32, #tpu.memory_space<hbm>>, %arg5: memref<1024xf32, #tpu.memory_space<vmem>>, %arg6: memref<4x128xi32, #tpu.memory_space<vmem>>, %arg7: memref<512x16xf32, #tpu.memory_space<vmem>>, %arg8: memref<8192xf32, #tpu.memory_space<vmem>>, %arg9: memref<!tpu.dma_semaphore, #tpu.memory_space<semaphore_mem>>) attributes {dimension_semantics = [#tpu.dimension_semantics<core_parallel>, #tpu.dimension_semantics<subcore_parallel>], iteration_bounds = array<i64: 2, 16>, scalar_prefetch = 0 : i64, scratch_operands = 5 : i64, tpu.core_type = #tpu.core_type<sc_vector_subcore>, window_params = [{transform_indices = #map}, {transform_indices = #map1}, {transform_indices = #map}]} {
    %mul3A = arith.constant 2 : i32
    %mul3A_0 = arith.muli %arg1, %mul3A : i32
    %add3A = arith.addi %mul3A_0, %arg0 : i32
    %mul3A_1 = arith.constant 512 : i32
    %mul3A_2 = arith.muli %add3A, %mul3A_1 : i32
    %mul3A_3 = arith.constant 2 : i32
    %mul3A_4 = arith.muli %mul3A_2, %mul3A_3 : i32
    "tpu.region"() ({
      %run_scoped3A = tpu.sem_alloc : memref<!tpu.dma_semaphore, #tpu.memory_space<semaphore_mem>>
      %dma_start3A_93 = tpu.memref_slice %arg2[%mul3A_4] : memref<32768xf32, #tpu.memory_space<hbm>> -> memref<1024xf32, #tpu.memory_space<hbm>>
      %dma_start3A_94 = tpu.memref_slice %arg2[%mul3A_4] : memref<32768xf32, #tpu.memory_space<hbm>> -> memref<1024xf32, #tpu.memory_space<hbm>>
      tpu.enqueue_dma source(%dma_start3A_94 : memref<1024xf32, #tpu.memory_space<hbm>>) target(%arg5 : memref<1024xf32, #tpu.memory_space<vmem>>) target_semaphore(%run_scoped3A : memref<!tpu.dma_semaphore, #tpu.memory_space<semaphore_mem>>)
      %dma_wait3A_95 = tpu.memref_slice %arg2[%mul3A_4] : memref<32768xf32, #tpu.memory_space<hbm>> -> memref<1024xf32, #tpu.memory_space<hbm>>
      %dma_wait3A_96 = tpu.memref_slice %arg2[%mul3A_4] : memref<32768xf32, #tpu.memory_space<hbm>> -> memref<1024xf32, #tpu.memory_space<hbm>>
      tpu.wait_dma2 semaphore(%run_scoped3A : memref<!tpu.dma_semaphore, #tpu.memory_space<semaphore_mem>>) src(%dma_wait3A_96 : memref<1024xf32, #tpu.memory_space<hbm>>) dst(%arg5 : memref<1024xf32, #tpu.memory_space<vmem>>)
      tpu.yield
    }) : () -> ()
    %iota3A = tpu.iota {dimensions = array<i32: 0>} : vector<16xi32>
    %mul3A_5 = arith.constant 2 : i32
    %mul3A_6 = vector.broadcast %mul3A_5 : i32 to vector<16xi32>
    %mul3A_7 = arith.muli %iota3A, %mul3A_6 : vector<16xi32>
    %parallel_loop3A = arith.constant 0 : i32
    %parallel_loop3A_8 = arith.constant 32 : i32
    %parallel_loop3A_9 = arith.constant 1 : i32
    scf.for %parallel_loop3A_93 = %parallel_loop3A to %parallel_loop3A_8 step %parallel_loop3A_9  : i32 {
      %parallel_loop3A_94 = arith.constant 32 : i32
      %parallel_loop3A_95 = arith.muli %parallel_loop3A_93, %parallel_loop3A_94 : i32
      %parallel_loop3A_96 = vector.broadcast %parallel_loop3A_95 : i32 to vector<16xi32>
      %parallel_loop3A_97 = arith.addi %parallel_loop3A_96, %mul3A_7 : vector<16xi32>
      %parallel_loop3A_98 = tpu.vector_load_idx %arg5[%parallel_loop3A_97] : memref<1024xf32, #tpu.memory_space<vmem>>[vector<16xi32>], vector<16xf32>,
      %parallel_loop3A_99 = arith.fptosi %parallel_loop3A_98 : vector<16xf32> to vector<16xi32>
      %parallel_loop3A_100 = arith.constant 8 : i32
      %parallel_loop3A_101 = arith.divsi %parallel_loop3A_93, %parallel_loop3A_100 : i32
      %parallel_loop3A_102 = arith.constant 0 : i32
      %parallel_loop3A_103 = arith.cmpi sgt, %parallel_loop3A_93, %parallel_loop3A_102 : i32
      %parallel_loop3A_104 = arith.extui %parallel_loop3A_103 : i1 to i32
      %parallel_loop3A_105 = arith.constant 0 : i32
      %parallel_loop3A_106 = arith.cmpi slt, %parallel_loop3A_93, %parallel_loop3A_105 : i32
      %parallel_loop3A_107 = arith.extui %parallel_loop3A_106 : i1 to i32
      %parallel_loop3A_108 = arith.subi %parallel_loop3A_104, %parallel_loop3A_107 : i32
      %parallel_loop3A_109 = arith.constant 0 : i32
      %parallel_loop3A_110 = arith.cmpi sgt, %parallel_loop3A_100, %parallel_loop3A_109 : i32
      %parallel_loop3A_111 = arith.extui %parallel_loop3A_110 : i1 to i32
      %parallel_loop3A_112 = arith.constant 0 : i32
      %parallel_loop3A_113 = arith.cmpi slt, %parallel_loop3A_100, %parallel_loop3A_112 : i32
      %parallel_loop3A_114 = arith.extui %parallel_loop3A_113 : i1 to i32
      %parallel_loop3A_115 = arith.subi %parallel_loop3A_111, %parallel_loop3A_114 : i32
      %parallel_loop3A_116 = arith.cmpi ne, %parallel_loop3A_108, %parallel_loop3A_115 : i32
      %parallel_loop3A_117 = arith.remsi %parallel_loop3A_93, %parallel_loop3A_100 : i32
      %parallel_loop3A_118 = arith.constant 0 : i32
      %parallel_loop3A_119 = arith.cmpi ne, %parallel_loop3A_117, %parallel_loop3A_118 : i32
      %parallel_loop3A_120 = arith.andi %parallel_loop3A_116, %parallel_loop3A_119 : i1
      %parallel_loop3A_121 = arith.constant 1 : i32
      %parallel_loop3A_122 = arith.subi %parallel_loop3A_101, %parallel_loop3A_121 : i32
      %parallel_loop3A_123 = arith.select %parallel_loop3A_120, %parallel_loop3A_122, %parallel_loop3A_101 : i32
      %parallel_loop3A_124 = arith.constant 8 : i32
      %parallel_loop3A_125 = arith.constant 0 : i32
      %parallel_loop3A_126 = arith.cmpi eq, %parallel_loop3A_124, %parallel_loop3A_125 : i32
      %parallel_loop3A_127 = arith.constant 1 : i32
      %parallel_loop3A_128 = arith.select %parallel_loop3A_126, %parallel_loop3A_127, %parallel_loop3A_124 : i32
      %parallel_loop3A_129 = arith.remsi %parallel_loop3A_93, %parallel_loop3A_128 : i32
      %parallel_loop3A_130 = arith.constant 0 : i32
      %parallel_loop3A_131 = arith.cmpi ne, %parallel_loop3A_129, %parallel_loop3A_130 : i32
      %parallel_loop3A_132 = arith.constant 0 : i32
      %parallel_loop3A_133 = arith.cmpi slt, %parallel_loop3A_129, %parallel_loop3A_132 : i32
      %parallel_loop3A_134 = arith.constant 0 : i32
      %parallel_loop3A_135 = arith.cmpi slt, %parallel_loop3A_128, %parallel_loop3A_134 : i32
      %parallel_loop3A_136 = arith.xori %parallel_loop3A_133, %parallel_loop3A_135 : i1
      %parallel_loop3A_137 = arith.andi %parallel_loop3A_136, %parallel_loop3A_131 : i1
      %parallel_loop3A_138 = arith.addi %parallel_loop3A_129, %parallel_loop3A_128 : i32
      %parallel_loop3A_139 = arith.select %parallel_loop3A_137, %parallel_loop3A_138, %parallel_loop3A_129 : i32
      %parallel_loop3A_140 = arith.constant 16 : i32
      %parallel_loop3A_141 = arith.muli %parallel_loop3A_139, %parallel_loop3A_140 : i32
      %parallel_loop3A_142 = arith.index_cast %parallel_loop3A_123 : i32 to index
      %parallel_loop3A_143 = arith.index_cast %parallel_loop3A_141 : i32 to index
      %parallel_loop3A_144 = tpu.vector_load %arg6[%parallel_loop3A_142, %parallel_loop3A_143] {strides = array<i32>} : memref<4x128xi32, #tpu.memory_space<vmem>>, vector<16xi32>,
      tpu.vector_store %arg6[%parallel_loop3A_142, %parallel_loop3A_143], %parallel_loop3A_99 {strides = array<i32>} : memref<4x128xi32, #tpu.memory_space<vmem>>, vector<16xi32>,
    } {sc.loop_unroll_factor = 1 : i64, sc.parallel_access}
    %dma_start3A = arith.constant 0 : i32
    %dma_start3A_10 = arith.constant 0 : i32
    %dma_start3A_11 = arith.constant 0 : i32
    %dma_start3A_12 = tpu.memref_slice %arg7[%dma_start3A_10, %dma_start3A_11] : memref<512x16xf32, #tpu.memory_space<vmem>> -> memref<128x16xf32, #tpu.memory_space<vmem>>
    %dma_start3A_13 = arith.constant 0 : i32
    %dma_start3A_14 = tpu.memref_slice %arg6[%dma_start3A, %dma_start3A_13] : memref<4x128xi32, #tpu.memory_space<vmem>> -> memref<1x128xi32, #tpu.memory_space<vmem>>
    %dma_start3A_15 = tpu.memref_squeeze %dma_start3A_14 : memref<1x128xi32, #tpu.memory_space<vmem>> -> memref<128xi32, #tpu.memory_space<vmem>>
    %dma_start3A_16 = arith.constant 0 : i32
    %dma_start3A_17 = arith.constant 0 : i32
    %dma_start3A_18 = tpu.memref_slice %arg3[%dma_start3A_16, %dma_start3A_17] : memref<100000x16xf32, #tpu.memory_space<hbm>> -> memref<100000x16xf32, #tpu.memory_space<hbm>>
    tpu.enqueue_indirect_dma source(%dma_start3A_18 : memref<100000x16xf32, #tpu.memory_space<hbm>>) target(%dma_start3A_12 : memref<128x16xf32, #tpu.memory_space<vmem>>) offsets(%dma_start3A_15 : memref<128xi32, #tpu.memory_space<vmem>>) semaphore(%arg9 : memref<!tpu.dma_semaphore, #tpu.memory_space<semaphore_mem>>)
    %dma_start3A_19 = arith.constant 1 : i32
    %dma_start3A_20 = arith.constant 128 : i32
    %dma_start3A_21 = arith.constant 0 : i32
    %dma_start3A_22 = tpu.memref_slice %arg7[%dma_start3A_20, %dma_start3A_21] : memref<512x16xf32, #tpu.memory_space<vmem>> -> memref<128x16xf32, #tpu.memory_space<vmem>>
    %dma_start3A_23 = arith.constant 0 : i32
    %dma_start3A_24 = tpu.memref_slice %arg6[%dma_start3A_19, %dma_start3A_23] : memref<4x128xi32, #tpu.memory_space<vmem>> -> memref<1x128xi32, #tpu.memory_space<vmem>>
    %dma_start3A_25 = tpu.memref_squeeze %dma_start3A_24 : memref<1x128xi32, #tpu.memory_space<vmem>> -> memref<128xi32, #tpu.memory_space<vmem>>
    %dma_start3A_26 = arith.constant 0 : i32
    %dma_start3A_27 = arith.constant 0 : i32
    %dma_start3A_28 = tpu.memref_slice %arg3[%dma_start3A_26, %dma_start3A_27] : memref<100000x16xf32, #tpu.memory_space<hbm>> -> memref<100000x16xf32, #tpu.memory_space<hbm>>
    tpu.enqueue_indirect_dma source(%dma_start3A_28 : memref<100000x16xf32, #tpu.memory_space<hbm>>) target(%dma_start3A_22 : memref<128x16xf32, #tpu.memory_space<vmem>>) offsets(%dma_start3A_25 : memref<128xi32, #tpu.memory_space<vmem>>) semaphore(%arg9 : memref<!tpu.dma_semaphore, #tpu.memory_space<semaphore_mem>>)
    %dma_start3A_29 = arith.constant 2 : i32
    %dma_start3A_30 = arith.constant 256 : i32
    %dma_start3A_31 = arith.constant 0 : i32
    %dma_start3A_32 = tpu.memref_slice %arg7[%dma_start3A_30, %dma_start3A_31] : memref<512x16xf32, #tpu.memory_space<vmem>> -> memref<128x16xf32, #tpu.memory_space<vmem>>
    %dma_start3A_33 = arith.constant 0 : i32
    %dma_start3A_34 = tpu.memref_slice %arg6[%dma_start3A_29, %dma_start3A_33] : memref<4x128xi32, #tpu.memory_space<vmem>> -> memref<1x128xi32, #tpu.memory_space<vmem>>
    %dma_start3A_35 = tpu.memref_squeeze %dma_start3A_34 : memref<1x128xi32, #tpu.memory_space<vmem>> -> memref<128xi32, #tpu.memory_space<vmem>>
    %dma_start3A_36 = arith.constant 0 : i32
    %dma_start3A_37 = arith.constant 0 : i32
    %dma_start3A_38 = tpu.memref_slice %arg3[%dma_start3A_36, %dma_start3A_37] : memref<100000x16xf32, #tpu.memory_space<hbm>> -> memref<100000x16xf32, #tpu.memory_space<hbm>>
    tpu.enqueue_indirect_dma source(%dma_start3A_38 : memref<100000x16xf32, #tpu.memory_space<hbm>>) target(%dma_start3A_32 : memref<128x16xf32, #tpu.memory_space<vmem>>) offsets(%dma_start3A_35 : memref<128xi32, #tpu.memory_space<vmem>>) semaphore(%arg9 : memref<!tpu.dma_semaphore, #tpu.memory_space<semaphore_mem>>)
    %dma_start3A_39 = arith.constant 3 : i32
    %dma_start3A_40 = arith.constant 384 : i32
    %dma_start3A_41 = arith.constant 0 : i32
    %dma_start3A_42 = tpu.memref_slice %arg7[%dma_start3A_40, %dma_start3A_41] : memref<512x16xf32, #tpu.memory_space<vmem>> -> memref<128x16xf32, #tpu.memory_space<vmem>>
    %dma_start3A_43 = arith.constant 0 : i32
    %dma_start3A_44 = tpu.memref_slice %arg6[%dma_start3A_39, %dma_start3A_43] : memref<4x128xi32, #tpu.memory_space<vmem>> -> memref<1x128xi32, #tpu.memory_space<vmem>>
    %dma_start3A_45 = tpu.memref_squeeze %dma_start3A_44 : memref<1x128xi32, #tpu.memory_space<vmem>> -> memref<128xi32, #tpu.memory_space<vmem>>
    %dma_start3A_46 = arith.constant 0 : i32
    %dma_start3A_47 = arith.constant 0 : i32
    %dma_start3A_48 = tpu.memref_slice %arg3[%dma_start3A_46, %dma_start3A_47] : memref<100000x16xf32, #tpu.memory_space<hbm>> -> memref<100000x16xf32, #tpu.memory_space<hbm>>
    tpu.enqueue_indirect_dma source(%dma_start3A_48 : memref<100000x16xf32, #tpu.memory_space<hbm>>) target(%dma_start3A_42 : memref<128x16xf32, #tpu.memory_space<vmem>>) offsets(%dma_start3A_45 : memref<128xi32, #tpu.memory_space<vmem>>) semaphore(%arg9 : memref<!tpu.dma_semaphore, #tpu.memory_space<semaphore_mem>>)
    %dma_wait3A = arith.constant 0 : i32
    %dma_wait3A_49 = arith.constant 0 : i32
    %dma_wait3A_50 = arith.constant 0 : i32
    %dma_wait3A_51 = tpu.memref_slice %arg7[%dma_wait3A_49, %dma_wait3A_50] : memref<512x16xf32, #tpu.memory_space<vmem>> -> memref<128x16xf32, #tpu.memory_space<vmem>>
    %dma_wait3A_52 = arith.constant 0 : i32
    %dma_wait3A_53 = tpu.memref_slice %arg6[%dma_wait3A, %dma_wait3A_52] : memref<4x128xi32, #tpu.memory_space<vmem>> -> memref<1x128xi32, #tpu.memory_space<vmem>>
    %dma_wait3A_54 = tpu.memref_squeeze %dma_wait3A_53 : memref<1x128xi32, #tpu.memory_space<vmem>> -> memref<128xi32, #tpu.memory_space<vmem>>
    %dma_wait3A_55 = arith.constant 0 : i32
    %dma_wait3A_56 = arith.constant 0 : i32
    %dma_wait3A_57 = tpu.memref_slice %arg3[%dma_wait3A_55, %dma_wait3A_56] : memref<100000x16xf32, #tpu.memory_space<hbm>> -> memref<100000x16xf32, #tpu.memory_space<hbm>>
    tpu.wait_indirect_dma semaphore(%arg9 : memref<!tpu.dma_semaphore, #tpu.memory_space<semaphore_mem>>) src(%dma_wait3A_57 : memref<100000x16xf32, #tpu.memory_space<hbm>>) dst(%dma_wait3A_51 : memref<128x16xf32, #tpu.memory_space<vmem>>)
    %dma_wait3A_58 = arith.constant 1 : i32
    %dma_wait3A_59 = arith.constant 128 : i32
    %dma_wait3A_60 = arith.constant 0 : i32
    %dma_wait3A_61 = tpu.memref_slice %arg7[%dma_wait3A_59, %dma_wait3A_60] : memref<512x16xf32, #tpu.memory_space<vmem>> -> memref<128x16xf32, #tpu.memory_space<vmem>>
    %dma_wait3A_62 = arith.constant 0 : i32
    %dma_wait3A_63 = tpu.memref_slice %arg6[%dma_wait3A_58, %dma_wait3A_62] : memref<4x128xi32, #tpu.memory_space<vmem>> -> memref<1x128xi32, #tpu.memory_space<vmem>>
    %dma_wait3A_64 = tpu.memref_squeeze %dma_wait3A_63 : memref<1x128xi32, #tpu.memory_space<vmem>> -> memref<128xi32, #tpu.memory_space<vmem>>
    %dma_wait3A_65 = arith.constant 0 : i32
    %dma_wait3A_66 = arith.constant 0 : i32
    %dma_wait3A_67 = tpu.memref_slice %arg3[%dma_wait3A_65, %dma_wait3A_66] : memref<100000x16xf32, #tpu.memory_space<hbm>> -> memref<100000x16xf32, #tpu.memory_space<hbm>>
    tpu.wait_indirect_dma semaphore(%arg9 : memref<!tpu.dma_semaphore, #tpu.memory_space<semaphore_mem>>) src(%dma_wait3A_67 : memref<100000x16xf32, #tpu.memory_space<hbm>>) dst(%dma_wait3A_61 : memref<128x16xf32, #tpu.memory_space<vmem>>)
    %dma_wait3A_68 = arith.constant 2 : i32
    %dma_wait3A_69 = arith.constant 256 : i32
    %dma_wait3A_70 = arith.constant 0 : i32
    %dma_wait3A_71 = tpu.memref_slice %arg7[%dma_wait3A_69, %dma_wait3A_70] : memref<512x16xf32, #tpu.memory_space<vmem>> -> memref<128x16xf32, #tpu.memory_space<vmem>>
    %dma_wait3A_72 = arith.constant 0 : i32
    %dma_wait3A_73 = tpu.memref_slice %arg6[%dma_wait3A_68, %dma_wait3A_72] : memref<4x128xi32, #tpu.memory_space<vmem>> -> memref<1x128xi32, #tpu.memory_space<vmem>>
    %dma_wait3A_74 = tpu.memref_squeeze %dma_wait3A_73 : memref<1x128xi32, #tpu.memory_space<vmem>> -> memref<128xi32, #tpu.memory_space<vmem>>
    %dma_wait3A_75 = arith.constant 0 : i32
    %dma_wait3A_76 = arith.constant 0 : i32
    %dma_wait3A_77 = tpu.memref_slice %arg3[%dma_wait3A_75, %dma_wait3A_76] : memref<100000x16xf32, #tpu.memory_space<hbm>> -> memref<100000x16xf32, #tpu.memory_space<hbm>>
    tpu.wait_indirect_dma semaphore(%arg9 : memref<!tpu.dma_semaphore, #tpu.memory_space<semaphore_mem>>) src(%dma_wait3A_77 : memref<100000x16xf32, #tpu.memory_space<hbm>>) dst(%dma_wait3A_71 : memref<128x16xf32, #tpu.memory_space<vmem>>)
    %dma_wait3A_78 = arith.constant 3 : i32
    %dma_wait3A_79 = arith.constant 384 : i32
    %dma_wait3A_80 = arith.constant 0 : i32
    %dma_wait3A_81 = tpu.memref_slice %arg7[%dma_wait3A_79, %dma_wait3A_80] : memref<512x16xf32, #tpu.memory_space<vmem>> -> memref<128x16xf32, #tpu.memory_space<vmem>>
    %dma_wait3A_82 = arith.constant 0 : i32
    %dma_wait3A_83 = tpu.memref_slice %arg6[%dma_wait3A_78, %dma_wait3A_82] : memref<4x128xi32, #tpu.memory_space<vmem>> -> memref<1x128xi32, #tpu.memory_space<vmem>>
    %dma_wait3A_84 = tpu.memref_squeeze %dma_wait3A_83 : memref<1x128xi32, #tpu.memory_space<vmem>> -> memref<128xi32, #tpu.memory_space<vmem>>
    %dma_wait3A_85 = arith.constant 0 : i32
    %dma_wait3A_86 = arith.constant 0 : i32
    %dma_wait3A_87 = tpu.memref_slice %arg3[%dma_wait3A_85, %dma_wait3A_86] : memref<100000x16xf32, #tpu.memory_space<hbm>> -> memref<100000x16xf32, #tpu.memory_space<hbm>>
    tpu.wait_indirect_dma semaphore(%arg9 : memref<!tpu.dma_semaphore, #tpu.memory_space<semaphore_mem>>) src(%dma_wait3A_87 : memref<100000x16xf32, #tpu.memory_space<hbm>>) dst(%dma_wait3A_81 : memref<128x16xf32, #tpu.memory_space<vmem>>)
    %parallel_loop3A_88 = arith.constant 0 : i32
    %parallel_loop3A_89 = arith.constant 32 : i32
    %parallel_loop3A_90 = arith.constant 1 : i32
    scf.for %parallel_loop3A_93 = %parallel_loop3A_88 to %parallel_loop3A_89 step %parallel_loop3A_90  : i32 {
      %parallel_loop3A_94 = arith.constant 16 : i32
      %parallel_loop3A_95 = arith.muli %parallel_loop3A_93, %parallel_loop3A_94 : i32
      %parallel_loop3A_96 = arith.constant 0 : i32
      %parallel_loop3A_97 = arith.addi %parallel_loop3A_95, %parallel_loop3A_96 : i32
      %parallel_loop3A_98 = arith.index_cast %parallel_loop3A_97 : i32 to index
      %parallel_loop3A_99 = arith.constant 0 : index
      %parallel_loop3A_100 = tpu.vector_load %arg7[%parallel_loop3A_98, %parallel_loop3A_99] {strides = array<i32>} : memref<512x16xf32, #tpu.memory_space<vmem>>, vector<16xf32>,
      %parallel_loop3A_101 = arith.constant 16 : i32
      %parallel_loop3A_102 = arith.muli %parallel_loop3A_93, %parallel_loop3A_101 : i32
      %parallel_loop3A_103 = arith.constant 0 : i32
      %parallel_loop3A_104 = arith.addi %parallel_loop3A_102, %parallel_loop3A_103 : i32
      %parallel_loop3A_105 = arith.constant 16 : i32
      %parallel_loop3A_106 = arith.muli %parallel_loop3A_104, %parallel_loop3A_105 : i32
      %parallel_loop3A_107 = arith.index_cast %parallel_loop3A_106 : i32 to index
      %parallel_loop3A_108 = tpu.vector_load %arg8[%parallel_loop3A_107] {strides = array<i32>} : memref<8192xf32, #tpu.memory_space<vmem>>, vector<16xf32>,
      tpu.vector_store %arg8[%parallel_loop3A_107], %parallel_loop3A_100 {strides = array<i32>} : memref<8192xf32, #tpu.memory_space<vmem>>, vector<16xf32>,
      %parallel_loop3A_109 = arith.constant 16 : i32
      %parallel_loop3A_110 = arith.muli %parallel_loop3A_93, %parallel_loop3A_109 : i32
      %parallel_loop3A_111 = arith.constant 1 : i32
      %parallel_loop3A_112 = arith.addi %parallel_loop3A_110, %parallel_loop3A_111 : i32
      %parallel_loop3A_113 = arith.index_cast %parallel_loop3A_112 : i32 to index
      %parallel_loop3A_114 = arith.constant 0 : index
      %parallel_loop3A_115 = tpu.vector_load %arg7[%parallel_loop3A_113, %parallel_loop3A_114] {strides = array<i32>} : memref<512x16xf32, #tpu.memory_space<vmem>>, vector<16xf32>,
      %parallel_loop3A_116 = arith.constant 16 : i32
      %parallel_loop3A_117 = arith.muli %parallel_loop3A_93, %parallel_loop3A_116 : i32
      %parallel_loop3A_118 = arith.constant 1 : i32
      %parallel_loop3A_119 = arith.addi %parallel_loop3A_117, %parallel_loop3A_118 : i32
      %parallel_loop3A_120 = arith.constant 16 : i32
      %parallel_loop3A_121 = arith.muli %parallel_loop3A_119, %parallel_loop3A_120 : i32
      %parallel_loop3A_122 = arith.index_cast %parallel_loop3A_121 : i32 to index
      %parallel_loop3A_123 = tpu.vector_load %arg8[%parallel_loop3A_122] {strides = array<i32>} : memref<8192xf32, #tpu.memory_space<vmem>>, vector<16xf32>,
      tpu.vector_store %arg8[%parallel_loop3A_122], %parallel_loop3A_115 {strides = array<i32>} : memref<8192xf32, #tpu.memory_space<vmem>>, vector<16xf32>,
      %parallel_loop3A_124 = arith.constant 16 : i32
      %parallel_loop3A_125 = arith.muli %parallel_loop3A_93, %parallel_loop3A_124 : i32
      %parallel_loop3A_126 = arith.constant 2 : i32
      %parallel_loop3A_127 = arith.addi %parallel_loop3A_125, %parallel_loop3A_126 : i32
      %parallel_loop3A_128 = arith.index_cast %parallel_loop3A_127 : i32 to index
      %parallel_loop3A_129 = arith.constant 0 : index
      %parallel_loop3A_130 = tpu.vector_load %arg7[%parallel_loop3A_128, %parallel_loop3A_129] {strides = array<i32>} : memref<512x16xf32, #tpu.memory_space<vmem>>, vector<16xf32>,
      %parallel_loop3A_131 = arith.constant 16 : i32
      %parallel_loop3A_132 = arith.muli %parallel_loop3A_93, %parallel_loop3A_131 : i32
      %parallel_loop3A_133 = arith.constant 2 : i32
      %parallel_loop3A_134 = arith.addi %parallel_loop3A_132, %parallel_loop3A_133 : i32
      %parallel_loop3A_135 = arith.constant 16 : i32
      %parallel_loop3A_136 = arith.muli %parallel_loop3A_134, %parallel_loop3A_135 : i32
      %parallel_loop3A_137 = arith.index_cast %parallel_loop3A_136 : i32 to index
      %parallel_loop3A_138 = tpu.vector_load %arg8[%parallel_loop3A_137] {strides = array<i32>} : memref<8192xf32, #tpu.memory_space<vmem>>, vector<16xf32>,
      tpu.vector_store %arg8[%parallel_loop3A_137], %parallel_loop3A_130 {strides = array<i32>} : memref<8192xf32, #tpu.memory_space<vmem>>, vector<16xf32>,
      %parallel_loop3A_139 = arith.constant 16 : i32
      %parallel_loop3A_140 = arith.muli %parallel_loop3A_93, %parallel_loop3A_139 : i32
      %parallel_loop3A_141 = arith.constant 3 : i32
      %parallel_loop3A_142 = arith.addi %parallel_loop3A_140, %parallel_loop3A_141 : i32
      %parallel_loop3A_143 = arith.index_cast %parallel_loop3A_142 : i32 to index
      %parallel_loop3A_144 = arith.constant 0 : index
      %parallel_loop3A_145 = tpu.vector_load %arg7[%parallel_loop3A_143, %parallel_loop3A_144] {strides = array<i32>} : memref<512x16xf32, #tpu.memory_space<vmem>>, vector<16xf32>,
      %parallel_loop3A_146 = arith.constant 16 : i32
      %parallel_loop3A_147 = arith.muli %parallel_loop3A_93, %parallel_loop3A_146 : i32
      %parallel_loop3A_148 = arith.constant 3 : i32
      %parallel_loop3A_149 = arith.addi %parallel_loop3A_147, %parallel_loop3A_148 : i32
      %parallel_loop3A_150 = arith.constant 16 : i32
      %parallel_loop3A_151 = arith.muli %parallel_loop3A_149, %parallel_loop3A_150 : i32
      %parallel_loop3A_152 = arith.index_cast %parallel_loop3A_151 : i32 to index
      %parallel_loop3A_153 = tpu.vector_load %arg8[%parallel_loop3A_152] {strides = array<i32>} : memref<8192xf32, #tpu.memory_space<vmem>>, vector<16xf32>,
      tpu.vector_store %arg8[%parallel_loop3A_152], %parallel_loop3A_145 {strides = array<i32>} : memref<8192xf32, #tpu.memory_space<vmem>>, vector<16xf32>,
      %parallel_loop3A_154 = arith.constant 16 : i32
      %parallel_loop3A_155 = arith.muli %parallel_loop3A_93, %parallel_loop3A_154 : i32
      %parallel_loop3A_156 = arith.constant 4 : i32
      %parallel_loop3A_157 = arith.addi %parallel_loop3A_155, %parallel_loop3A_156 : i32
      %parallel_loop3A_158 = arith.index_cast %parallel_loop3A_157 : i32 to index
      %parallel_loop3A_159 = arith.constant 0 : index
      %parallel_loop3A_160 = tpu.vector_load %arg7[%parallel_loop3A_158, %parallel_loop3A_159] {strides = array<i32>} : memref<512x16xf32, #tpu.memory_space<vmem>>, vector<16xf32>,
      %parallel_loop3A_161 = arith.constant 16 : i32
      %parallel_loop3A_162 = arith.muli %parallel_loop3A_93, %parallel_loop3A_161 : i32
      %parallel_loop3A_163 = arith.constant 4 : i32
      %parallel_loop3A_164 = arith.addi %parallel_loop3A_162, %parallel_loop3A_163 : i32
      %parallel_loop3A_165 = arith.constant 16 : i32
      %parallel_loop3A_166 = arith.muli %parallel_loop3A_164, %parallel_loop3A_165 : i32
      %parallel_loop3A_167 = arith.index_cast %parallel_loop3A_166 : i32 to index
      %parallel_loop3A_168 = tpu.vector_load %arg8[%parallel_loop3A_167] {strides = array<i32>} : memref<8192xf32, #tpu.memory_space<vmem>>, vector<16xf32>,
      tpu.vector_store %arg8[%parallel_loop3A_167], %parallel_loop3A_160 {strides = array<i32>} : memref<8192xf32, #tpu.memory_space<vmem>>, vector<16xf32>,
      %parallel_loop3A_169 = arith.constant 16 : i32
      %parallel_loop3A_170 = arith.muli %parallel_loop3A_93, %parallel_loop3A_169 : i32
      %parallel_loop3A_171 = arith.constant 5 : i32
      %parallel_loop3A_172 = arith.addi %parallel_loop3A_170, %parallel_loop3A_171 : i32
      %parallel_loop3A_173 = arith.index_cast %parallel_loop3A_172 : i32 to index
      %parallel_loop3A_174 = arith.constant 0 : index
      %parallel_loop3A_175 = tpu.vector_load %arg7[%parallel_loop3A_173, %parallel_loop3A_174] {strides = array<i32>} : memref<512x16xf32, #tpu.memory_space<vmem>>, vector<16xf32>,
      %parallel_loop3A_176 = arith.constant 16 : i32
      %parallel_loop3A_177 = arith.muli %parallel_loop3A_93, %parallel_loop3A_176 : i32
      %parallel_loop3A_178 = arith.constant 5 : i32
      %parallel_loop3A_179 = arith.addi %parallel_loop3A_177, %parallel_loop3A_178 : i32
      %parallel_loop3A_180 = arith.constant 16 : i32
      %parallel_loop3A_181 = arith.muli %parallel_loop3A_179, %parallel_loop3A_180 : i32
      %parallel_loop3A_182 = arith.index_cast %parallel_loop3A_181 : i32 to index
      %parallel_loop3A_183 = tpu.vector_load %arg8[%parallel_loop3A_182] {strides = array<i32>} : memref<8192xf32, #tpu.memory_space<vmem>>, vector<16xf32>,
      tpu.vector_store %arg8[%parallel_loop3A_182], %parallel_loop3A_175 {strides = array<i32>} : memref<8192xf32, #tpu.memory_space<vmem>>, vector<16xf32>,
      %parallel_loop3A_184 = arith.constant 16 : i32
      %parallel_loop3A_185 = arith.muli %parallel_loop3A_93, %parallel_loop3A_184 : i32
      %parallel_loop3A_186 = arith.constant 6 : i32
      %parallel_loop3A_187 = arith.addi %parallel_loop3A_185, %parallel_loop3A_186 : i32
      %parallel_loop3A_188 = arith.index_cast %parallel_loop3A_187 : i32 to index
      %parallel_loop3A_189 = arith.constant 0 : index
      %parallel_loop3A_190 = tpu.vector_load %arg7[%parallel_loop3A_188, %parallel_loop3A_189] {strides = array<i32>} : memref<512x16xf32, #tpu.memory_space<vmem>>, vector<16xf32>,
      %parallel_loop3A_191 = arith.constant 16 : i32
      %parallel_loop3A_192 = arith.muli %parallel_loop3A_93, %parallel_loop3A_191 : i32
      %parallel_loop3A_193 = arith.constant 6 : i32
      %parallel_loop3A_194 = arith.addi %parallel_loop3A_192, %parallel_loop3A_193 : i32
      %parallel_loop3A_195 = arith.constant 16 : i32
      %parallel_loop3A_196 = arith.muli %parallel_loop3A_194, %parallel_loop3A_195 : i32
      %parallel_loop3A_197 = arith.index_cast %parallel_loop3A_196 : i32 to index
      %parallel_loop3A_198 = tpu.vector_load %arg8[%parallel_loop3A_197] {strides = array<i32>} : memref<8192xf32, #tpu.memory_space<vmem>>, vector<16xf32>,
      tpu.vector_store %arg8[%parallel_loop3A_197], %parallel_loop3A_190 {strides = array<i32>} : memref<8192xf32, #tpu.memory_space<vmem>>, vector<16xf32>,
      %parallel_loop3A_199 = arith.constant 16 : i32
      %parallel_loop3A_200 = arith.muli %parallel_loop3A_93, %parallel_loop3A_199 : i32
      %parallel_loop3A_201 = arith.constant 7 : i32
      %parallel_loop3A_202 = arith.addi %parallel_loop3A_200, %parallel_loop3A_201 : i32
      %parallel_loop3A_203 = arith.index_cast %parallel_loop3A_202 : i32 to index
      %parallel_loop3A_204 = arith.constant 0 : index
      %parallel_loop3A_205 = tpu.vector_load %arg7[%parallel_loop3A_203, %parallel_loop3A_204] {strides = array<i32>} : memref<512x16xf32, #tpu.memory_space<vmem>>, vector<16xf32>,
      %parallel_loop3A_206 = arith.constant 16 : i32
      %parallel_loop3A_207 = arith.muli %parallel_loop3A_93, %parallel_loop3A_206 : i32
      %parallel_loop3A_208 = arith.constant 7 : i32
      %parallel_loop3A_209 = arith.addi %parallel_loop3A_207, %parallel_loop3A_208 : i32
      %parallel_loop3A_210 = arith.constant 16 : i32
      %parallel_loop3A_211 = arith.muli %parallel_loop3A_209, %parallel_loop3A_210 : i32
      %parallel_loop3A_212 = arith.index_cast %parallel_loop3A_211 : i32 to index
      %parallel_loop3A_213 = tpu.vector_load %arg8[%parallel_loop3A_212] {strides = array<i32>} : memref<8192xf32, #tpu.memory_space<vmem>>, vector<16xf32>,
      tpu.vector_store %arg8[%parallel_loop3A_212], %parallel_loop3A_205 {strides = array<i32>} : memref<8192xf32, #tpu.memory_space<vmem>>, vector<16xf32>,
      %parallel_loop3A_214 = arith.constant 16 : i32
      %parallel_loop3A_215 = arith.muli %parallel_loop3A_93, %parallel_loop3A_214 : i32
      %parallel_loop3A_216 = arith.constant 8 : i32
      %parallel_loop3A_217 = arith.addi %parallel_loop3A_215, %parallel_loop3A_216 : i32
      %parallel_loop3A_218 = arith.index_cast %parallel_loop3A_217 : i32 to index
      %parallel_loop3A_219 = arith.constant 0 : index
      %parallel_loop3A_220 = tpu.vector_load %arg7[%parallel_loop3A_218, %parallel_loop3A_219] {strides = array<i32>} : memref<512x16xf32, #tpu.memory_space<vmem>>, vector<16xf32>,
      %parallel_loop3A_221 = arith.constant 16 : i32
      %parallel_loop3A_222 = arith.muli %parallel_loop3A_93, %parallel_loop3A_221 : i32
      %parallel_loop3A_223 = arith.constant 8 : i32
      %parallel_loop3A_224 = arith.addi %parallel_loop3A_222, %parallel_loop3A_223 : i32
      %parallel_loop3A_225 = arith.constant 16 : i32
      %parallel_loop3A_226 = arith.muli %parallel_loop3A_224, %parallel_loop3A_225 : i32
      %parallel_loop3A_227 = arith.index_cast %parallel_loop3A_226 : i32 to index
      %parallel_loop3A_228 = tpu.vector_load %arg8[%parallel_loop3A_227] {strides = array<i32>} : memref<8192xf32, #tpu.memory_space<vmem>>, vector<16xf32>,
      tpu.vector_store %arg8[%parallel_loop3A_227], %parallel_loop3A_220 {strides = array<i32>} : memref<8192xf32, #tpu.memory_space<vmem>>, vector<16xf32>,
      %parallel_loop3A_229 = arith.constant 16 : i32
      %parallel_loop3A_230 = arith.muli %parallel_loop3A_93, %parallel_loop3A_229 : i32
      %parallel_loop3A_231 = arith.constant 9 : i32
      %parallel_loop3A_232 = arith.addi %parallel_loop3A_230, %parallel_loop3A_231 : i32
      %parallel_loop3A_233 = arith.index_cast %parallel_loop3A_232 : i32 to index
      %parallel_loop3A_234 = arith.constant 0 : index
      %parallel_loop3A_235 = tpu.vector_load %arg7[%parallel_loop3A_233, %parallel_loop3A_234] {strides = array<i32>} : memref<512x16xf32, #tpu.memory_space<vmem>>, vector<16xf32>,
      %parallel_loop3A_236 = arith.constant 16 : i32
      %parallel_loop3A_237 = arith.muli %parallel_loop3A_93, %parallel_loop3A_236 : i32
      %parallel_loop3A_238 = arith.constant 9 : i32
      %parallel_loop3A_239 = arith.addi %parallel_loop3A_237, %parallel_loop3A_238 : i32
      %parallel_loop3A_240 = arith.constant 16 : i32
      %parallel_loop3A_241 = arith.muli %parallel_loop3A_239, %parallel_loop3A_240 : i32
      %parallel_loop3A_242 = arith.index_cast %parallel_loop3A_241 : i32 to index
      %parallel_loop3A_243 = tpu.vector_load %arg8[%parallel_loop3A_242] {strides = array<i32>} : memref<8192xf32, #tpu.memory_space<vmem>>, vector<16xf32>,
      tpu.vector_store %arg8[%parallel_loop3A_242], %parallel_loop3A_235 {strides = array<i32>} : memref<8192xf32, #tpu.memory_space<vmem>>, vector<16xf32>,
      %parallel_loop3A_244 = arith.constant 16 : i32
      %parallel_loop3A_245 = arith.muli %parallel_loop3A_93, %parallel_loop3A_244 : i32
      %parallel_loop3A_246 = arith.constant 10 : i32
      %parallel_loop3A_247 = arith.addi %parallel_loop3A_245, %parallel_loop3A_246 : i32
      %parallel_loop3A_248 = arith.index_cast %parallel_loop3A_247 : i32 to index
      %parallel_loop3A_249 = arith.constant 0 : index
      %parallel_loop3A_250 = tpu.vector_load %arg7[%parallel_loop3A_248, %parallel_loop3A_249] {strides = array<i32>} : memref<512x16xf32, #tpu.memory_space<vmem>>, vector<16xf32>,
      %parallel_loop3A_251 = arith.constant 16 : i32
      %parallel_loop3A_252 = arith.muli %parallel_loop3A_93, %parallel_loop3A_251 : i32
      %parallel_loop3A_253 = arith.constant 10 : i32
      %parallel_loop3A_254 = arith.addi %parallel_loop3A_252, %parallel_loop3A_253 : i32
      %parallel_loop3A_255 = arith.constant 16 : i32
      %parallel_loop3A_256 = arith.muli %parallel_loop3A_254, %parallel_loop3A_255 : i32
      %parallel_loop3A_257 = arith.index_cast %parallel_loop3A_256 : i32 to index
      %parallel_loop3A_258 = tpu.vector_load %arg8[%parallel_loop3A_257] {strides = array<i32>} : memref<8192xf32, #tpu.memory_space<vmem>>, vector<16xf32>,
      tpu.vector_store %arg8[%parallel_loop3A_257], %parallel_loop3A_250 {strides = array<i32>} : memref<8192xf32, #tpu.memory_space<vmem>>, vector<16xf32>,
      %parallel_loop3A_259 = arith.constant 16 : i32
      %parallel_loop3A_260 = arith.muli %parallel_loop3A_93, %parallel_loop3A_259 : i32
      %parallel_loop3A_261 = arith.constant 11 : i32
      %parallel_loop3A_262 = arith.addi %parallel_loop3A_260, %parallel_loop3A_261 : i32
      %parallel_loop3A_263 = arith.index_cast %parallel_loop3A_262 : i32 to index
      %parallel_loop3A_264 = arith.constant 0 : index
      %parallel_loop3A_265 = tpu.vector_load %arg7[%parallel_loop3A_263, %parallel_loop3A_264] {strides = array<i32>} : memref<512x16xf32, #tpu.memory_space<vmem>>, vector<16xf32>,
      %parallel_loop3A_266 = arith.constant 16 : i32
      %parallel_loop3A_267 = arith.muli %parallel_loop3A_93, %parallel_loop3A_266 : i32
      %parallel_loop3A_268 = arith.constant 11 : i32
      %parallel_loop3A_269 = arith.addi %parallel_loop3A_267, %parallel_loop3A_268 : i32
      %parallel_loop3A_270 = arith.constant 16 : i32
      %parallel_loop3A_271 = arith.muli %parallel_loop3A_269, %parallel_loop3A_270 : i32
      %parallel_loop3A_272 = arith.index_cast %parallel_loop3A_271 : i32 to index
      %parallel_loop3A_273 = tpu.vector_load %arg8[%parallel_loop3A_272] {strides = array<i32>} : memref<8192xf32, #tpu.memory_space<vmem>>, vector<16xf32>,
      tpu.vector_store %arg8[%parallel_loop3A_272], %parallel_loop3A_265 {strides = array<i32>} : memref<8192xf32, #tpu.memory_space<vmem>>, vector<16xf32>,
      %parallel_loop3A_274 = arith.constant 16 : i32
      %parallel_loop3A_275 = arith.muli %parallel_loop3A_93, %parallel_loop3A_274 : i32
      %parallel_loop3A_276 = arith.constant 12 : i32
      %parallel_loop3A_277 = arith.addi %parallel_loop3A_275, %parallel_loop3A_276 : i32
      %parallel_loop3A_278 = arith.index_cast %parallel_loop3A_277 : i32 to index
      %parallel_loop3A_279 = arith.constant 0 : index
      %parallel_loop3A_280 = tpu.vector_load %arg7[%parallel_loop3A_278, %parallel_loop3A_279] {strides = array<i32>} : memref<512x16xf32, #tpu.memory_space<vmem>>, vector<16xf32>,
      %parallel_loop3A_281 = arith.constant 16 : i32
      %parallel_loop3A_282 = arith.muli %parallel_loop3A_93, %parallel_loop3A_281 : i32
      %parallel_loop3A_283 = arith.constant 12 : i32
      %parallel_loop3A_284 = arith.addi %parallel_loop3A_282, %parallel_loop3A_283 : i32
      %parallel_loop3A_285 = arith.constant 16 : i32
      %parallel_loop3A_286 = arith.muli %parallel_loop3A_284, %parallel_loop3A_285 : i32
      %parallel_loop3A_287 = arith.index_cast %parallel_loop3A_286 : i32 to index
      %parallel_loop3A_288 = tpu.vector_load %arg8[%parallel_loop3A_287] {strides = array<i32>} : memref<8192xf32, #tpu.memory_space<vmem>>, vector<16xf32>,
      tpu.vector_store %arg8[%parallel_loop3A_287], %parallel_loop3A_280 {strides = array<i32>} : memref<8192xf32, #tpu.memory_space<vmem>>, vector<16xf32>,
      %parallel_loop3A_289 = arith.constant 16 : i32
      %parallel_loop3A_290 = arith.muli %parallel_loop3A_93, %parallel_loop3A_289 : i32
      %parallel_loop3A_291 = arith.constant 13 : i32
      %parallel_loop3A_292 = arith.addi %parallel_loop3A_290, %parallel_loop3A_291 : i32
      %parallel_loop3A_293 = arith.index_cast %parallel_loop3A_292 : i32 to index
      %parallel_loop3A_294 = arith.constant 0 : index
      %parallel_loop3A_295 = tpu.vector_load %arg7[%parallel_loop3A_293, %parallel_loop3A_294] {strides = array<i32>} : memref<512x16xf32, #tpu.memory_space<vmem>>, vector<16xf32>,
      %parallel_loop3A_296 = arith.constant 16 : i32
      %parallel_loop3A_297 = arith.muli %parallel_loop3A_93, %parallel_loop3A_296 : i32
      %parallel_loop3A_298 = arith.constant 13 : i32
      %parallel_loop3A_299 = arith.addi %parallel_loop3A_297, %parallel_loop3A_298 : i32
      %parallel_loop3A_300 = arith.constant 16 : i32
      %parallel_loop3A_301 = arith.muli %parallel_loop3A_299, %parallel_loop3A_300 : i32
      %parallel_loop3A_302 = arith.index_cast %parallel_loop3A_301 : i32 to index
      %parallel_loop3A_303 = tpu.vector_load %arg8[%parallel_loop3A_302] {strides = array<i32>} : memref<8192xf32, #tpu.memory_space<vmem>>, vector<16xf32>,
      tpu.vector_store %arg8[%parallel_loop3A_302], %parallel_loop3A_295 {strides = array<i32>} : memref<8192xf32, #tpu.memory_space<vmem>>, vector<16xf32>,
      %parallel_loop3A_304 = arith.constant 16 : i32
      %parallel_loop3A_305 = arith.muli %parallel_loop3A_93, %parallel_loop3A_304 : i32
      %parallel_loop3A_306 = arith.constant 14 : i32
      %parallel_loop3A_307 = arith.addi %parallel_loop3A_305, %parallel_loop3A_306 : i32
      %parallel_loop3A_308 = arith.index_cast %parallel_loop3A_307 : i32 to index
      %parallel_loop3A_309 = arith.constant 0 : index
      %parallel_loop3A_310 = tpu.vector_load %arg7[%parallel_loop3A_308, %parallel_loop3A_309] {strides = array<i32>} : memref<512x16xf32, #tpu.memory_space<vmem>>, vector<16xf32>,
      %parallel_loop3A_311 = arith.constant 16 : i32
      %parallel_loop3A_312 = arith.muli %parallel_loop3A_93, %parallel_loop3A_311 : i32
      %parallel_loop3A_313 = arith.constant 14 : i32
      %parallel_loop3A_314 = arith.addi %parallel_loop3A_312, %parallel_loop3A_313 : i32
      %parallel_loop3A_315 = arith.constant 16 : i32
      %parallel_loop3A_316 = arith.muli %parallel_loop3A_314, %parallel_loop3A_315 : i32
      %parallel_loop3A_317 = arith.index_cast %parallel_loop3A_316 : i32 to index
      %parallel_loop3A_318 = tpu.vector_load %arg8[%parallel_loop3A_317] {strides = array<i32>} : memref<8192xf32, #tpu.memory_space<vmem>>, vector<16xf32>,
      tpu.vector_store %arg8[%parallel_loop3A_317], %parallel_loop3A_310 {strides = array<i32>} : memref<8192xf32, #tpu.memory_space<vmem>>, vector<16xf32>,
      %parallel_loop3A_319 = arith.constant 16 : i32
      %parallel_loop3A_320 = arith.muli %parallel_loop3A_93, %parallel_loop3A_319 : i32
      %parallel_loop3A_321 = arith.constant 15 : i32
      %parallel_loop3A_322 = arith.addi %parallel_loop3A_320, %parallel_loop3A_321 : i32
      %parallel_loop3A_323 = arith.index_cast %parallel_loop3A_322 : i32 to index
      %parallel_loop3A_324 = arith.constant 0 : index
      %parallel_loop3A_325 = tpu.vector_load %arg7[%parallel_loop3A_323, %parallel_loop3A_324] {strides = array<i32>} : memref<512x16xf32, #tpu.memory_space<vmem>>, vector<16xf32>,
      %parallel_loop3A_326 = arith.constant 16 : i32
      %parallel_loop3A_327 = arith.muli %parallel_loop3A_93, %parallel_loop3A_326 : i32
      %parallel_loop3A_328 = arith.constant 15 : i32
      %parallel_loop3A_329 = arith.addi %parallel_loop3A_327, %parallel_loop3A_328 : i32
      %parallel_loop3A_330 = arith.constant 16 : i32
      %parallel_loop3A_331 = arith.muli %parallel_loop3A_329, %parallel_loop3A_330 : i32
      %parallel_loop3A_332 = arith.index_cast %parallel_loop3A_331 : i32 to index
      %parallel_loop3A_333 = tpu.vector_load %arg8[%parallel_loop3A_332] {strides = array<i32>} : memref<8192xf32, #tpu.memory_space<vmem>>, vector<16xf32>,
      tpu.vector_store %arg8[%parallel_loop3A_332], %parallel_loop3A_325 {strides = array<i32>} : memref<8192xf32, #tpu.memory_space<vmem>>, vector<16xf32>,
    } {sc.loop_unroll_factor = 1 : i64, sc.parallel_access}
    %mul3A_91 = arith.constant 8192 : i32
    %mul3A_92 = arith.muli %add3A, %mul3A_91 : i32
    "tpu.region"() ({
      %run_scoped3A = tpu.sem_alloc : memref<!tpu.dma_semaphore, #tpu.memory_space<semaphore_mem>>
      %dma_start3A_93 = tpu.memref_slice %arg4[%mul3A_92] : memref<262144xf32, #tpu.memory_space<hbm>> -> memref<8192xf32, #tpu.memory_space<hbm>>
      %dma_start3A_94 = tpu.memref_slice %arg4[%mul3A_92] : memref<262144xf32, #tpu.memory_space<hbm>> -> memref<8192xf32, #tpu.memory_space<hbm>>
      tpu.enqueue_dma source(%arg8 : memref<8192xf32, #tpu.memory_space<vmem>>) target(%dma_start3A_94 : memref<8192xf32, #tpu.memory_space<hbm>>) target_semaphore(%run_scoped3A : memref<!tpu.dma_semaphore, #tpu.memory_space<semaphore_mem>>)
      %dma_wait3A_95 = tpu.memref_slice %arg4[%mul3A_92] : memref<262144xf32, #tpu.memory_space<hbm>> -> memref<8192xf32, #tpu.memory_space<hbm>>
      %dma_wait3A_96 = tpu.memref_slice %arg4[%mul3A_92] : memref<262144xf32, #tpu.memory_space<hbm>> -> memref<8192xf32, #tpu.memory_space<hbm>>
      tpu.wait_dma2 semaphore(%run_scoped3A : memref<!tpu.dma_semaphore, #tpu.memory_space<semaphore_mem>>) src(%arg8 : memref<8192xf32, #tpu.memory_space<vmem>>) dst(%dma_wait3A_96 : memref<8192xf32, #tpu.memory_space<hbm>>)
      tpu.yield
    }) : () -> ()
    return
  }
}

module attributes {stable_mosaic.version = 14 : i64} {
  func.func @_mlp_body(%arg0: i32, %arg1: memref<1024x128xf32, #tpu.memory_space<vmem>>, %arg2: memref<1024x8xf32, #tpu.memory_space<vmem>>, %arg3: memref<128x256xf32, #tpu.memory_space<vmem>>, %arg4: memref<8x256xf32, #tpu.memory_space<vmem>>, %arg5: memref<1x256xf32, #tpu.memory_space<vmem>>, %arg6: memref<256x256xf32, #tpu.memory_space<vmem>>, %arg7: memref<1x256xf32, #tpu.memory_space<vmem>>, %arg8: memref<256x8xf32, #tpu.memory_space<vmem>>, %arg9: memref<1xf32, #tpu.memory_space<smem>>, %arg10: memref<1024x8xf32, #tpu.memory_space<vmem>>) attributes {dimension_semantics = [#tpu.dimension_semantics<arbitrary>], iteration_bounds = array<i64: 2>, scalar_prefetch = 0 : i64, scratch_operands = 0 : i64, tpu.core_type = #tpu.core_type<tc>, window_params = [{transform_indices = @transform_0, window_bounds = array<i64: 1024, 128>}, {transform_indices = @transform_1, window_bounds = array<i64: 1024, 8>}, {pipeline_mode = #tpu.pipeline_mode<synchronous>, transform_indices = @transform_2, window_bounds = array<i64: 128, 256>}, {pipeline_mode = #tpu.pipeline_mode<synchronous>, transform_indices = @transform_3, window_bounds = array<i64: 8, 256>}, {pipeline_mode = #tpu.pipeline_mode<synchronous>, transform_indices = @transform_4, window_bounds = array<i64: 1, 256>}, {pipeline_mode = #tpu.pipeline_mode<synchronous>, transform_indices = @transform_5, window_bounds = array<i64: 256, 256>}, {pipeline_mode = #tpu.pipeline_mode<synchronous>, transform_indices = @transform_6, window_bounds = array<i64: 1, 256>}, {pipeline_mode = #tpu.pipeline_mode<synchronous>, transform_indices = @transform_7, window_bounds = array<i64: 256, 8>}, {transform_indices = @transform_8, window_bounds = array<i64: 1>}, {transform_indices = @transform_9, window_bounds = array<i64: 1024, 8>}]} {
    %get3A = arith.constant 0 : index
    %get3A_0 = arith.constant 0 : index
    %get3A_1 = vector.load %arg1[%get3A, %get3A_0] : memref<1024x128xf32, #tpu.memory_space<vmem>>, vector<1024x128xf32>
    %get3A_2 = arith.constant 0 : index
    %get3A_3 = arith.constant 0 : index
    %get3A_4 = vector.load %arg3[%get3A_2, %get3A_3] : memref<128x256xf32, #tpu.memory_space<vmem>>, vector<128x256xf32>
    %dot_general3A = arith.constant dense<0.000000e+00> : vector<1024x256xf32>
    %dot_general3A_5 = tpu.matmul %get3A_1, %get3A_4, %dot_general3A {dimension_numbers = #tpu.dot_dimension_numbers<[1], [0], [0], [1], [0, 0, 1, 1], [], []>, transpose_lhs_hint = false} : vector<1024x128xf32>, vector<128x256xf32>, vector<1024x256xf32> -> vector<1024x256xf32>
    %get3A_6 = arith.constant 0 : index
    %get3A_7 = arith.constant 0 : index
    %get3A_8 = vector.load %arg2[%get3A_6, %get3A_7] : memref<1024x8xf32, #tpu.memory_space<vmem>>, vector<1024x8xf32>
    %get3A_9 = arith.constant 0 : index
    %get3A_10 = arith.constant 0 : index
    %get3A_11 = vector.load %arg4[%get3A_9, %get3A_10] : memref<8x256xf32, #tpu.memory_space<vmem>>, vector<8x256xf32>
    %dot_general3A_12 = arith.constant dense<0.000000e+00> : vector<1024x256xf32>
    %dot_general3A_13 = tpu.matmul %get3A_8, %get3A_11, %dot_general3A_12 {dimension_numbers = #tpu.dot_dimension_numbers<[1], [0], [0], [1], [0, 0, 1, 1], [], []>, transpose_lhs_hint = false} : vector<1024x8xf32>, vector<8x256xf32>, vector<1024x256xf32> -> vector<1024x256xf32>
    %add3A = arith.addf %dot_general3A_5, %dot_general3A_13 : vector<1024x256xf32>
    %get3A_14 = arith.constant 0 : index
    %get3A_15 = arith.constant 0 : index
    %get3A_16 = vector.load %arg5[%get3A_14, %get3A_15] : memref<1x256xf32, #tpu.memory_space<vmem>>, vector<1x256xf32>
    %add3A_17 = vector.broadcast %get3A_16 : vector<1x256xf32> to vector<1024x256xf32>
    %add3A_18 = arith.addf %add3A, %add3A_17 : vector<1024x256xf32>
    %max3A = arith.constant 0.000000e+00 : f32
    %max3A_19 = vector.broadcast %max3A : f32 to vector<1024x256xf32>
    %max3A_20 = arith.maximumf %add3A_18, %max3A_19 : vector<1024x256xf32>
    %get3A_21 = arith.constant 0 : index
    %get3A_22 = arith.constant 0 : index
    %get3A_23 = vector.load %arg6[%get3A_21, %get3A_22] : memref<256x256xf32, #tpu.memory_space<vmem>>, vector<256x256xf32>
    %dot_general3A_24 = arith.constant dense<0.000000e+00> : vector<1024x256xf32>
    %dot_general3A_25 = tpu.matmul %max3A_20, %get3A_23, %dot_general3A_24 {dimension_numbers = #tpu.dot_dimension_numbers<[1], [0], [0], [1], [0, 0, 1, 1], [], []>, transpose_lhs_hint = false} : vector<1024x256xf32>, vector<256x256xf32>, vector<1024x256xf32> -> vector<1024x256xf32>
    %get3A_26 = arith.constant 0 : index
    %get3A_27 = arith.constant 0 : index
    %get3A_28 = vector.load %arg7[%get3A_26, %get3A_27] : memref<1x256xf32, #tpu.memory_space<vmem>>, vector<1x256xf32>
    %add3A_29 = vector.broadcast %get3A_28 : vector<1x256xf32> to vector<1024x256xf32>
    %add3A_30 = arith.addf %dot_general3A_25, %add3A_29 : vector<1024x256xf32>
    %max3A_31 = arith.constant 0.000000e+00 : f32
    %max3A_32 = vector.broadcast %max3A_31 : f32 to vector<1024x256xf32>
    %max3A_33 = arith.maximumf %add3A_30, %max3A_32 : vector<1024x256xf32>
    %get3A_34 = arith.constant 0 : index
    %get3A_35 = arith.constant 0 : index
    %get3A_36 = vector.load %arg8[%get3A_34, %get3A_35] : memref<256x8xf32, #tpu.memory_space<vmem>>, vector<256x8xf32>
    %dot_general3A_37 = arith.constant dense<0.000000e+00> : vector<1024x8xf32>
    %dot_general3A_38 = tpu.matmul %max3A_33, %get3A_36, %dot_general3A_37 {dimension_numbers = #tpu.dot_dimension_numbers<[1], [0], [0], [1], [0, 0, 1, 1], [], []>, transpose_lhs_hint = false} : vector<1024x256xf32>, vector<256x8xf32>, vector<1024x8xf32> -> vector<1024x8xf32>
    %get3A_39 = arith.constant 0 : index
    %get3A_40 = memref.load %arg9[%get3A_39] : memref<1xf32, #tpu.memory_space<smem>>
    %add3A_41 = vector.broadcast %get3A_40 : f32 to vector<1024x8xf32>
    %add3A_42 = arith.addf %dot_general3A_38, %add3A_41 : vector<1024x8xf32>
    %swap3A = arith.constant 0 : index
    %swap3A_43 = arith.constant 0 : index
    %swap3A_44 = vector.load %arg10[%swap3A, %swap3A_43] : memref<1024x8xf32, #tpu.memory_space<vmem>>, vector<1024x8xf32>
    tpu.vector_store %arg10[%swap3A, %swap3A_43], %add3A_42 {strides = array<i32>} : memref<1024x8xf32, #tpu.memory_space<vmem>>, vector<1024x8xf32>,
    return
  }
  func.func @transform_0(%arg0: i32) -> (i32, i32) {
    %c0_i32 = arith.constant 0 : i32
    %c0_i32_0 = arith.constant 0 : i32
    return %arg0, %c0_i32 : i32, i32
  }
  func.func @transform_1(%arg0: i32) -> (i32, i32) {
    %c0_i32 = arith.constant 0 : i32
    %c0_i32_0 = arith.constant 0 : i32
    return %arg0, %c0_i32 : i32, i32
  }
  func.func @transform_2(%arg0: i32) -> (i32, i32) {
    %c0_i32 = arith.constant 0 : i32
    %c0_i32_0 = arith.constant 0 : i32
    %c0_i32_1 = arith.constant 0 : i32
    return %c0_i32, %c0_i32_0 : i32, i32
  }
  func.func @transform_3(%arg0: i32) -> (i32, i32) {
    %c0_i32 = arith.constant 0 : i32
    %c0_i32_0 = arith.constant 0 : i32
    %c0_i32_1 = arith.constant 0 : i32
    return %c0_i32, %c0_i32_0 : i32, i32
  }
  func.func @transform_4(%arg0: i32) -> (i32, i32) {
    %c0_i32 = arith.constant 0 : i32
    %c0_i32_0 = arith.constant 0 : i32
    %c0_i32_1 = arith.constant 0 : i32
    return %c0_i32, %c0_i32_0 : i32, i32
  }
  func.func @transform_5(%arg0: i32) -> (i32, i32) {
    %c0_i32 = arith.constant 0 : i32
    %c0_i32_0 = arith.constant 0 : i32
    %c0_i32_1 = arith.constant 0 : i32
    return %c0_i32, %c0_i32_0 : i32, i32
  }
  func.func @transform_6(%arg0: i32) -> (i32, i32) {
    %c0_i32 = arith.constant 0 : i32
    %c0_i32_0 = arith.constant 0 : i32
    %c0_i32_1 = arith.constant 0 : i32
    return %c0_i32, %c0_i32_0 : i32, i32
  }
  func.func @transform_7(%arg0: i32) -> (i32, i32) {
    %c0_i32 = arith.constant 0 : i32
    %c0_i32_0 = arith.constant 0 : i32
    %c0_i32_1 = arith.constant 0 : i32
    return %c0_i32, %c0_i32_0 : i32, i32
  }
  func.func @transform_8(%arg0: i32) -> i32 {
    %c0_i32 = arith.constant 0 : i32
    %c0_i32_0 = arith.constant 0 : i32
    return %c0_i32 : i32
  }
  func.func @transform_9(%arg0: i32) -> (i32, i32) {
    %c0_i32 = arith.constant 0 : i32
    %c0_i32_0 = arith.constant 0 : i32
    return %arg0, %c0_i32 : i32, i32
  }
}

</mosaic_0001>

<sc_bundles>
// kernel: kernel.4.cloned.1.call-start
scs
__scs_entry_jumppad:
0x0: {  	(pc) =	sbr.rel $0x88, $3  }
0x1: {  	(tag) =	ssettag $0x0;
	lr =	simm.s32 $0x1  }
0x2: {  	[smem:$0x3F99] =	sst lr;
	_ =	strace $0xD0000000  }
0x3: {  	_ = 	snop  }
0x4: {  	_ = 	snop  }
0x5: {  	_ = 	snop  }
0x6: {  	_ = 	snop  }
0x7: {  	_ = 	snop  }
__scs_overlays_trampoline_lowered:
0x8: {  	[smem:$0x3FA8] =	sst s0  }
0x9: {  	[smem:$0x3FA9] =	sst s1  }
0xa: {  	[smem:$0x3FAA] =	sst s2  }
0xb: {  	[smem:$0x3FAB] =	sst s3  }
0xc: {  	[smem:$0x3FAC] =	sst s4  }
0xd: {  	[smem:$0x3FAD] =	sst s5  }
0xe: {  	[smem:$0x3FAE] =	sst s6  }
0xf: {  	[smem:$0x3FAF] =	sst s7  }
0x10: {  	[smem:$0x3FB0] =	sst s8  }
0x11: {  	[smem:$0x3FB1] =	sst s9;
	s0 =	simm.s32 @!p0 $0x0  }
0x12: {  	s1 =	sld [smem:$0x3F97];
	s0 =	simm.s32 @p0 $0x1  }
0x13: {  	[smem:$0x3FB2] =	sst s0;
	s0 =	simm.s32 @!p1 $0x0  }
0x14: {  	s2 =	sld [smem:$0x3F96];
	s0 =	simm.s32 @p1 $0x1  }
0x15: {  	[smem:$0x3FB3] =	sst s0;
	s0 =	simm.s32 @!p2 $0x0  }
0x16: {  	s3 =	sld [smem:$0x3FDB];
	s0 =	simm.s32 @p2 $0x1  }
0x17: {  	s4 =	simm.s32 $0x1BF5;
	[smem:$0x3FB5] =	sst s0  }
0x18: {  	s0 =	sld [smem:$0x3F98];
	_ =	swait.ge [sflag:s4], $0x0  }
0x19: {  	s7 =	sld [smem:$0x3F99]  }
0x1a: {  	s8 =	sadd.s32 $0xFFFFE003, lr  }
0x1b: {  	s9 =	sadd.s32 $0xFFFFFEF7, lr;
	s5 =	simm.s32 $0xFFFFFFFF;
	p2 =	slt.u32 s8, $0xFFFFF086  }
0x1c: {  	p1 =	slt.u32 s9, $0xF7A;
	s5 =	simm.s32 @!p2 $0x0  }
0x1d: {  	s5 =	simm.s32 @p1 $0x1;
	p0 =	seq.s32 s7, s2  }
0x1e: {  	s7 =	smul.u32 @!p0 $0xF7A, s2;
	p2 =	seq.s32 @!p0 s5, $0x0  }
0x1f: {  	s9 =	smul.u32 $0xF7A, s1;
	s8 =	simm.s32 @!p0 $0x1BF5;
	p2 =	por !p2, p0  }
0x20: {  	[sflag:s8] =	ssyncset.s32 @!p0 $0xFFFFF086;
	s6 =	sadd.s32 @!p0 s3, s7;
	s7 =	simm.s32 @!p0 $0x108  }
0x21: {  	s3 =	sadd.s32 s3, s9;
	s6 =	sadd.s32 @!p0 $0x88, s6;
	s7 =	simm.s32 @p2 $0x1082  }
0x22: {  	[simem:s7], [sflag:s8] =	dma.local @!p0 [hbm:s6], $0xF7A  }
0x23: {  	s9 =	sor.u32 $0xD0000000, s2;
	s6 =	simm.s32 $0x108;
	_ =	swait.ge @!p0 [sflag:s8], $0x0  }
0x24: {  	s3 =	sadd.s32 $0x88, s3;
	s6 =	simm.s32 @!p1 $0x1082;
	[sflag:s4] =	ssyncset.s32 $0xFFFFF086  }
0x25: {  	[simem:s6], [sflag:s4] =	dma.local [hbm:s3], $0xF7A  }
0x26: {  	[smem:$0x3F99] =	sst s1;
	(tag) =	ssettag s2;
	_ =	strace s9  }
0x27: {  	s1 =	sld [smem:$0x3FA9]  }
0x28: {  	s2 =	sld [smem:$0x3FAA]  }
0x29: {  	s4 =	sld [smem:$0x3FAC]  }
0x2a: {  	p0 =	seq.s32 s5, $0x0;
	s5 =	sld [smem:$0x3FAD]  }
0x2b: {  	s6 =	sld [smem:$0x3FAE]  }
0x2c: {  	s7 =	sld [smem:$0x3FAF]  }
0x2d: {  	s3 =	simm.s32 $0x108;
	s8 =	sld [smem:$0x3FB0]  }
0x2e: {  	s3 =	simm.s32 @!p0 $0x1082;
	s9 =	sld [smem:$0x3FB1]  }
0x2f: {  	lr =	sadd.s32 s0, s3;
	s0 =	sld [smem:$0x3FA8]  }
0x30: {  	s3 =	sld [smem:$0x3FAB]  }
0x31: {  	[smem:$0x3FB4] =	sst s10  }
0x32: {  	s10 =	sld [smem:$0x3FB2];
	_ =	sdelay $0x3  }
0x33: {  	p0 =	seq.s32 s10, $0x1;
	s10 =	sld [smem:$0x3FB4];
	_ =	sdelay $0x3  }
0x34: {  	[smem:$0x3FB4] =	sst s10  }
0x35: {  	s10 =	sld [smem:$0x3FB3];
	_ =	sdelay $0x3  }
0x36: {  	p1 =	seq.s32 s10, $0x1;
	s10 =	sld [smem:$0x3FB4];
	_ =	sdelay $0x3  }
0x37: {  	[smem:$0x3FB4] =	sst s10  }
0x38: {  	s10 =	sld [smem:$0x3FB5]  }
0x39: {  	_ = 	snop;
	(pc) =	sbr.ind lr, $3  }
0x3a: {  	_ = 	snop  }
0x3b: {  	_ = 	snop  }
0x3c: {  	p2 =	seq.s32 s10, $0x1;
	s10 =	sld [smem:$0x3FB4]  }
0x3d: {  	_ =	shalt  }
0x3e: {  	_ =	shalt  }
0x3f: {  	_ =	shalt  }
0x40: {  	_ =	shalt  }
0x41: {  	_ =	shalt  }
0x42: {  	_ =	shalt  }
0x43: {  	_ =	shalt  }
0x44: {  	_ =	shalt  }
0x45: {  	_ =	shalt  }
0x46: {  	_ =	shalt  }
0x47: {  	_ =	shalt  }
0x48: {  	_ =	shalt  }
0x49: {  	_ =	shalt  }
0x4a: {  	_ =	shalt  }
0x4b: {  	_ =	shalt  }
0x4c: {  	_ =	shalt  }
0x4d: {  	_ =	shalt  }
0x4e: {  	_ =	shalt  }
0x4f: {  	_ =	shalt  }
0x50: {  	_ =	shalt  }
0x51: {  	_ =	shalt  }
0x52: {  	_ =	shalt  }
0x53: {  	_ =	shalt  }
0x54: {  	_ =	shalt  }
0x55: {  	_ =	shalt  }
0x56: {  	_ =	shalt  }
0x57: {  	_ =	shalt  }
0x58: {  	_ =	shalt  }
0x59: {  	_ =	shalt  }
0x5a: {  	_ =	shalt  }
0x5b: {  	_ =	shalt  }
0x5c: {  	_ =	shalt  }
0x5d: {  	_ =	shalt  }
0x5e: {  	_ =	shalt  }
0x5f: {  	_ =	shalt  }
0x60: {  	_ =	shalt  }
0x61: {  	_ =	shalt  }
0x62: {  	_ =	shalt  }
0x63: {  	_ =	shalt  }
0x64: {  	_ =	shalt  }
0x65: {  	_ =	shalt  }
0x66: {  	_ =	shalt  }
0x67: {  	_ =	shalt  }
0x68: {  	_ =	shalt  }
0x69: {  	_ =	shalt  }
0x6a: {  	_ =	shalt  }
0x6b: {  	_ =	shalt  }
0x6c: {  	_ =	shalt  }
0x6d: {  	_ =	shalt  }
0x6e: {  	_ =	shalt  }
0x6f: {  	_ =	shalt  }
0x70: {  	_ =	shalt  }
0x71: {  	_ =	shalt  }
0x72: {  	_ =	shalt  }
0x73: {  	_ =	shalt  }
0x74: {  	_ =	shalt  }
0x75: {  	_ =	shalt  }
0x76: {  	_ =	shalt  }
0x77: {  	_ =	shalt  }
0x78: {  	_ =	shalt  }
0x79: {  	_ =	shalt  }
0x7a: {  	_ =	shalt  }
0x7b: {  	_ =	shalt  }
0x7c: {  	_ =	shalt  }
0x7d: {  	_ =	shalt  }
0x7e: {  	_ =	shalt  }
0x7f: {  	_ =	shalt  }
0x80: {  	_ =	shalt  }
0x81: {  	_ =	shalt  }
0x82: {  	_ =	shalt  }
0x83: {  	_ =	shalt  }
0x84: {  	_ =	shalt  }
0x85: {  	_ =	shalt  }
0x86: {  	_ =	shalt  }
0x87: {  	_ =	shalt  }
.Lfunc_end0:
.L_simem_size_0:
called_computation_lowered:
.L_overlay_start_0:
0x88: {  	s2 =	sld [smem:$0x3FD9]  }
0x89: {  	s3 =	sld [smem:$0x3FFE];
	_ =	sdelay $0x1  }
0x8a: {  	s1 =	srdreg.scid  }
0x8b: {  	s0 =	sand.u32 $0x1, s1  }
0x8c: {  	s16 =	sshll.u32 s0, $0xA;
	s2 =	sadd.s32 s3, s2  }
0x8d: {  	s2 =	sadd.s32 s2, s16  }
0x8e: {  	[smem:$0x3FC0] =	sst s2  }
0x8f: {  	_ = 	snop  }
0x90: {  	(tm) =	ssettm $0x1  }
0x91: {  	s17 =	sld [smem:$0x3FFB];
	_ =	sdelay $0x3  }
0x92: {  	_ =	strace s17  }
0x93: {  	s2 =	sld [smem:$0x3FFC];
	_ =	sdelay $0x3  }
0x94: {  	_ =	strace s2  }
0x95: {  	s2 =	sld [smem:$0x3FFD];
	_ =	sdelay $0x3  }
0x96: {  	_ =	strace s2  }
0x97: {  	_ =	strace $0x8FFFFFFF  }
0x98: {  	s18 =	sld [smem:$0x3FDB];
	_ =	sdelay $0x1  }
0x99: {  	s19 =	simm.s32 $_scs_section_size  }
0x9a: {  	s4 =	simm.s32 $_size__tile_overlayer_lowered;
	s5 =	simm.s32 $_tile_overlayer_lowered  }
0x9b: {  	s22 =	simm.s32 $0x1BFF;
	s21 =	sshll.u32 s5, $0x1;
	s2 =	sadd.s32 s19, s18  }
0x9c: {  	s6 =	simm.s32 $0x0;
	s20 =	sshll.u32 s4, $0x1;
	s4 =	sadd.s32 s21, s2  }
0x9d: {  	[timem:s6], [sflag:s22] =	dma.local [hbm:s4], s20  }
0x9e: {  	_ =	swait.ge [sflag:s22], s20  }
0x9f: {  	s3 =	ssub.s32 $0x0, s20;
	[sflag:s22] =	ssyncset.done $0x0  }
0xa0: {  	[sflag:s22] =	ssyncadd.s32 s3;
	_ =	sdelay $0x1  }
0xa1: {  	s23 =	simm.s32 $0x1B8B  }
0xa2: {  	_ =	swait.ge [sflag:s23], $0x1  }
0xa3: {  	[sflag:s23] =	ssyncset.done $0x0  }
0xa4: {  	s25 =	simm.s32 $0x1B8E;
	s24 =	sld [smem:$0x3FFE];
	[sflag:s23] =	ssyncadd.s32 $0xFFFFFFFF  }
0xa5: {  	s26 =	simm.s32 $execute0_lowered;
	[smem:$0x3FD2] =	sst s25  }
0xa6: {  	s4 =	sshll.u32 s26, $0x1;
	_ =	strace $0x80000046;
	[dreg:$0x1] =	wrdreg $0xFFFFFFFF  }
0xa7: {  	s28 =	simm.s32 $_size_execute0_lowered;
	s2 =	sadd.s32 s2, s4;
	[dreg:$0x0] =	wrdreg $0x0  }
0xa8: {  	s4 =	sshll.u32 s28, $0x1;
	[dreg:$0x2] =	wrdreg s2  }
0xa9: {  	[dreg:$0x3] =	wrdreg s4  }
0xaa: {  	[dreg:$0x4] =	wrdreg $0xC0  }
0xab: {  	_ =	task [dreg:s6], $0x5FFFF  }
0xac: {  	[dreg:$0x1] =	wrdreg $0xFFFFFFFF  }
0xad: {  	[dreg:$0x0] =	wrdreg $0x60  }
0xae: {  	[dreg:$0x2] =	wrdreg s24  }
0xaf: {  	[dreg:$0x3] =	wrdreg $0x9  }
0xb0: {  	_ =	task.clear_ibuf [dreg:s6], $0x4FFFF;
	_ =	strace $0x90000046  }
0xb1: {  	s29 =	simm.s32 $0x9;
	_ =	strace $0x80000048  }
0xb2: {  	_ =	swait.ge [sflag:s29], $0x1  }
0xb3: {  	[sflag:s29] =	ssyncadd.s32 $0xFFFFFFFF  }
0xb4: {  	_ =	strace $0x90000048  }
0xb5: {  	_ =	sfence  }
0xb6: {  	s30 =	sld [smem:$0x0];
	_ =	sdelay $0x2  }
0xb7: {  	s31 =	sshll.u32 s1, $0xD;
	s1 =	sshrl.u32 s1, $0x2  }
0xb8: {  	s3 =	sand.u32 $0x4000, s31;
	s1 =	sadd.s32 s1, s30  }
0xb9: {  	s0 =	sor.u32 s3, s0;
	s1 =	sshll.u32 s1, $0x11  }
0xba: {  	s0 =	sor.u32 s1, s0  }
0xbb: {  	s0 =	sadd.s32 $0x8F2B, s0  }
0xbc: {  	[sflag:s0] =	ssyncadd.remote.s32 $0x1  }
0xbd: {  	_ =	sfence.sel $0xFFFF  }
0xbe: {  	[dreg:$0x0] =	wrdreg $0xFFFFFFFF;
	(pc) =	sbr.abs _section_cstart, $3  }
0xbf: {  	[dreg:$0x1] =	wrdreg $0xFFFFFFFF  }
0xc0: {  	_ =	task.clear_ibuf [dreg:s6], $0x2FFFF;
	_ =	strace $0x9FFFFFFF  }
0xc1: {  	(tm) =	ssettm $0x7FFFFFFF  }
tec
execute0_lowered:
.L_overlay_start_1:
0x0: {  	(tag) =	ssettag $0x1  }
0x1: {  	s1 =	srdreg.scid  }
0x2: {  	s0 =	stileid.u32;
	s4 =	rddreg [dreg:$0x0];
	s2 =	simm.s32 $0x0  }
0x3: {  	s9 =	simm.s32 $0x400;
	s10 =	simm.s32 $0x600;
	s11 =	simm.s32 $0x480  }
0x4: {  	s12 =	simm.s32 $0xE00;
	s13 =	simm.s32 $0x500;
	s14 =	simm.s32 $0x1600  }
0x5: {  	s15 =	simm.s32 $0x580;
	s16 =	simm.s32 $0x1E00;
	s17 =	simm.s32 $0x1  }
0x6: {  	s18 =	simm.s32 $0x2600;
	s3 =	sand.u32 $0x1, s1;
	s1 =	rddreg [dreg:$0x1]  }
0x7: {  	s19 =	simm.s32 $0x0;
	s5 =	sshll.u32 s0, $0x1;
	[smem:$0x7FF] =	sst s2  }
0x8: {  	s5 =	sor.u32 s3, s5;
	_ =	strace $0x80000047;
	s7 =	ssub.s32 $0x2, s3  }
0x9: {  	s3 =	sadd.s32 $0x189400, s4;
	s6 =	sshll.u32 s5, $0x7;
	s5 =	sshll.u32 s5, $0xA  }
0xa: {  	s8 =	sshrl.u32 s7, $0x1;
	s6 =	sadd.s32 s6, s4;
	s5 =	sadd.s32 s5, s4  }
0xb: {  	v0 =	vlaneseq.u32;
	s7 =	ssub.s32 s7, s8;
	s8 =	simm.s32 $0x80;
	s4 =	sadd.s32 $0x1A00, s6  }
0xc: {  	v0 =	vmul.u32 $0x2, v0;
	s5 =	sadd.s32 $0x2A00, s5;
	s6 =	smax.u32 s7, $0x1;
	s7 =	simm.s32 $0x2  }
.LBB2_1:
0xd: {  	_ = 	snop  }
0xe: {  	v1 =	vor.u32 s2, v0  }
0xf: {  	[tilespmem:s2], [sflag:$0x2] =	stream.linear.gather [hbm4b:s4+s2], $0x400, $0x38;
	[tilespmem:$0x4600] =	vst v63  }
0x10: {  	_ =	swait.ge [sflag:s7], $0x400  }
0x11: {  	[sflag:s7] =	ssyncset.done $0x0  }
0x12: {  	s20 =	simm.s32 $0x20;
	[sflag:s7] =	ssyncadd.s32 $0xFFFFFC00  }
0x13: {  	v2 =	vld.idx.msk [tilespmem:v1+s2+$0x0], $0xffff;
	v1 =	vor.u32 s20, v0;
	_ =	sdelay $0x3  }
0x14: {  	s21 =	simm.s32 $0x80;
	s22 =	simm.s32 $0x40;
	s24 =	sand.u32 $0x70, s2  }
0x15: {  	s25 =	sand.u32 $0x600, s2;
	s23 =	simm.s32 $0x0;
	s20 =	simm.s32 $0x40;
	v1 =	vld.idx.msk [tilespmem:v1+s2+$0x0], $0xffff;
	v2 =	vtrunc.f32 v2  }
.LBB2_2:
0x16: {  	p0 =	sne.s32 s21, $0x7C0;
	s25 =	sshrl.u32 s25, $0x2  }
0x17: {  	v3 =	vor.u32 s22, v0;
	v2 =	vcvt.f32.s32 v2;
	s26 =	smov.u32 s20;
	s20 =	smov.u32 s21;
	s21 =	sadd.s32 $0x40, s21  }
.Ltmp0:
0x18: {  	s24 =	sor.u32 s24, s25;
	(pc) =	sbr.rel @p0 .LBB2_2-.Ltmp0, $3  }
0x19: {  	[tilespmem:s24+$0x400] =	vst v2;
	_ =	sdelay $0x1  }
0x1a: {  	s23 =	sadd.s32 $0x10, s23  }
0x1b: {  	s22 =	sadd.s32 $0x20, s22;
	s25 =	sand.u32 $0x600, s26;
	s24 =	sand.u32 $0x70, s23;
	v2 =	vtrunc.f32 v1;
	v1 =	vld.idx.msk [tilespmem:v3+s2+$0x0], $0xffff  }
0x1c: {  	_ =	sdelay $0x3  }
0x1d: {  	v2 =	vcvt.f32.s32 v2;
	s21 =	sshrl.u32 s25, $0x2;
	s22 =	sadd.s32 $0x10, s23;
	s20 =	sand.u32 $0x600, s20;
	v1 =	vtrunc.f32 v1  }
0x1e: {  	s21 =	sor.u32 s24, s21;
	s22 =	sand.u32 $0x70, s22;
	s20 =	sshrl.u32 s20, $0x2;
	v1 =	vcvt.f32.s32 v1  }
0x1f: {  	[tilespmem:s21+$0x400] =	vst v2;
	s20 =	sor.u32 s22, s20  }
0x20: {  	[tilespmem:s20+$0x400] =	vst v1  }
0x21: {  	[tilespmem:s10], [sflag:$0x1] =	stream.indirect.gather [hbm4b:s3+s8], $0x10, s9, s8, $0xb8;
	[tilespmem:$0x4600] =	vst v63  }
0x22: {  	_ = 	snop  }
0x23: {  	[tilespmem:s12], [sflag:$0x1] =	stream.indirect.gather [hbm4b:s3+s8], $0x10, s11, s8, $0xb8;
	[tilespmem:$0x4600] =	vst v63  }
0x24: {  	_ = 	snop  }
0x25: {  	[tilespmem:s14], [sflag:$0x1] =	stream.indirect.gather [hbm4b:s3+s8], $0x10, s13, s8, $0xb8;
	[tilespmem:$0x4600] =	vst v63  }
0x26: {  	_ = 	snop  }
0x27: {  	[tilespmem:s16], [sflag:$0x1] =	stream.indirect.gather [hbm4b:s3+s8], $0x10, s15, s8, $0xb8;
	[tilespmem:$0x4600] =	vst v63  }
0x28: {  	_ =	swait.ge [sflag:s17], $0x800  }
0x29: {  	[sflag:s17] =	ssyncset.done $0x0  }
0x2a: {  	[sflag:s17] =	ssyncadd.s32 $0xFFFFF800  }
0x2b: {  	_ =	swait.ge [sflag:s17], $0x800  }
0x2c: {  	[sflag:s17] =	ssyncset.done $0x0  }
0x2d: {  	[sflag:s17] =	ssyncadd.s32 $0xFFFFF800  }
0x2e: {  	_ =	swait.ge [sflag:s17], $0x800  }
0x2f: {  	[sflag:s17] =	ssyncset.done $0x0  }
0x30: {  	[sflag:s17] =	ssyncadd.s32 $0xFFFFF800  }
0x31: {  	_ =	swait.ge [sflag:s17], $0x800  }
0x32: {  	[sflag:s17] =	ssyncset.done $0x0  }
0x33: {  	s20 =	simm.s32 $0x0;
	[sflag:s17] =	ssyncadd.s32 $0xFFFFF800  }
0x34: {  	v1 =	vld [tilespmem:s20+$0x6F0]  }
0x35: {  	v2 =	vld [tilespmem:s20+$0x600]  }
0x36: {  	v3 =	vld [tilespmem:s20+$0x610]  }
0x37: {  	v4 =	vld [tilespmem:s20+$0x620]  }
0x38: {  	v5 =	vld [tilespmem:s20+$0x630]  }
0x39: {  	v6 =	vld [tilespmem:s20+$0x640];
	[tilespmem:s20+$0x26F0] =	vst v1  }
0x3a: {  	v7 =	vld [tilespmem:s20+$0x670];
	[tilespmem:s20+$0x2600] =	vst v2  }
0x3b: {  	v1 =	vld [tilespmem:s20+$0x650];
	[tilespmem:s20+$0x2610] =	vst v3  }
0x3c: {  	v2 =	vld [tilespmem:s20+$0x660];
	[tilespmem:s20+$0x2620] =	vst v4  }
0x3d: {  	[tilespmem:s20+$0x2630] =	vst v5;
	v5 =	vld [tilespmem:s20+$0x680]  }
0x3e: {  	[tilespmem:s20+$0x2640] =	vst v6;
	v6 =	vld [tilespmem:s20+$0x690]  }
0x3f: {  	v4 =	vld [tilespmem:s20+$0x6A0];
	[tilespmem:s20+$0x2670] =	vst v7  }
0x40: {  	v3 =	vld [tilespmem:s20+$0x6B0];
	[tilespmem:s20+$0x2650] =	vst v1  }
0x41: {  	[tilespmem:s20+$0x2660] =	vst v2;
	v2 =	vld [tilespmem:s20+$0x6C0]  }
0x42: {  	[tilespmem:s20+$0x2680] =	vst v5;
	v1 =	vld [tilespmem:s20+$0x6D0]  }
0x43: {  	s21 =	simm.s32 $0x100;
	s22 =	simm.s32 $0x800;
	[tilespmem:s20+$0x2690] =	vst v6;
	v5 =	vld [tilespmem:s20+$0x6E0]  }
.LBB2_4:
0x44: {  	p0 =	sne.s32 s22, $0x7C00;
	v6 =	vld [tilespmem:s21+$0x6F0];
	[tilespmem:s20+$0x26A0] =	vst v4  }
0x45: {  	v4 =	vld [tilespmem:s21+$0x600];
	[tilespmem:s20+$0x26B0] =	vst v3  }
0x46: {  	v3 =	vld [tilespmem:s21+$0x610];
	[tilespmem:s20+$0x26C0] =	vst v2  }
0x47: {  	v2 =	vld [tilespmem:s21+$0x620];
	[tilespmem:s20+$0x26D0] =	vst v1  }
0x48: {  	v1 =	vld [tilespmem:s21+$0x630];
	[tilespmem:s20+$0x26E0] =	vst v5;
	s20 =	smov.u32 s21  }
0x49: {  	v5 =	vld [tilespmem:s20+$0x640];
	[tilespmem:s20+$0x26F0] =	vst v6  }
0x4a: {  	[tilespmem:s20+$0x2600] =	vst v4;
	v4 =	vld [tilespmem:s20+$0x650]  }
0x4b: {  	[tilespmem:s20+$0x2610] =	vst v3;
	v3 =	vld [tilespmem:s20+$0x660]  }
0x4c: {  	[tilespmem:s20+$0x2620] =	vst v2;
	v2 =	vld [tilespmem:s20+$0x670]  }
0x4d: {  	[tilespmem:s20+$0x2630] =	vst v1;
	v1 =	vld [tilespmem:s20+$0x680]  }
0x4e: {  	[tilespmem:s20+$0x2640] =	vst v5;
	v5 =	vld [tilespmem:s20+$0x690]  }
.Ltmp1:
0x4f: {  	[tilespmem:s20+$0x2650] =	vst v4;
	v4 =	vld [tilespmem:s20+$0x6A0];
	(pc) =	sbr.rel @p0 .LBB2_4-.Ltmp1, $4  }
0x50: {  	[tilespmem:s20+$0x2660] =	vst v3;
	v3 =	vld [tilespmem:s20+$0x6B0]  }
0x51: {  	[tilespmem:s20+$0x2670] =	vst v2;
	v2 =	vld [tilespmem:s20+$0x6C0]  }
0x52: {  	[tilespmem:s20+$0x2680] =	vst v1;
	v1 =	vld [tilespmem:s20+$0x6D0]  }
0x53: {  	s21 =	sshra.s32 s22, $0x2;
	s22 =	sadd.s32 $0x400, s22;
	[tilespmem:s20+$0x2690] =	vst v5;
	v5 =	vld [tilespmem:s20+$0x6E0]  }
0x54: {  	v6 =	vld [tilespmem:s21+$0x6F0];
	[tilespmem:s20+$0x26A0] =	vst v4  }
0x55: {  	v7 =	vld [tilespmem:s21+$0x600];
	[tilespmem:s20+$0x26B0] =	vst v3  }
0x56: {  	v8 =	vld [tilespmem:s21+$0x610];
	[tilespmem:s20+$0x26C0] =	vst v2  }
0x57: {  	v9 =	vld [tilespmem:s21+$0x620];
	[tilespmem:s20+$0x26D0] =	vst v1  }
0x58: {  	v10 =	vld [tilespmem:s21+$0x630];
	[tilespmem:s20+$0x26E0] =	vst v5  }
0x59: {  	v11 =	vld [tilespmem:s21+$0x640];
	[tilespmem:s21+$0x26F0] =	vst v6  }
0x5a: {  	v57 =	vld [tilespmem:s21+$0x650];
	[tilespmem:s21+$0x2600] =	vst v7  }
0x5b: {  	v58 =	vld [tilespmem:s21+$0x660];
	[tilespmem:s21+$0x2610] =	vst v8  }
0x5c: {  	v59 =	vld [tilespmem:s21+$0x670];
	[tilespmem:s21+$0x2620] =	vst v9  }
0x5d: {  	v60 =	vld [tilespmem:s21+$0x680];
	[tilespmem:s21+$0x2630] =	vst v10  }
0x5e: {  	v61 =	vld [tilespmem:s21+$0x690];
	[tilespmem:s21+$0x2640] =	vst v11  }
0x5f: {  	v62 =	vld [tilespmem:s21+$0x6A0];
	[tilespmem:s21+$0x2650] =	vst v57  }
0x60: {  	v63 =	vld [tilespmem:s21+$0x6E0];
	[tilespmem:s21+$0x2660] =	vst v58  }
0x61: {  	v3 =	vld [tilespmem:s21+$0x6B0];
	[tilespmem:s21+$0x2670] =	vst v59  }
0x62: {  	v2 =	vld [tilespmem:s21+$0x6C0];
	[tilespmem:s21+$0x2680] =	vst v60  }
0x63: {  	v1 =	vld [tilespmem:s21+$0x6D0];
	[tilespmem:s21+$0x2690] =	vst v61  }
0x64: {  	[tilespmem:s21+$0x26A0] =	vst v62  }
0x65: {  	[tilespmem:s21+$0x26E0] =	vst v63  }
0x66: {  	s19 =	sadd.s32 $0x1, s19;
	[tilespmem:s21+$0x26B0] =	vst v3  }
0x67: {  	p0 =	sne.s32 s19, s6;
	[tilespmem:s21+$0x26C0] =	vst v2  }
.Ltmp2:
0x68: {  	[tilespmem:s21+$0x26D0] =	vst v1;
	(pc) =	sbr.rel @p0 .LBB2_1-.Ltmp2, $4  }
0x69: {  	[hbm4b:s5+s2] =	stream.linear.scatter [tilespmem:s18], [sflag:$0x2], $0x2000, $0x38;
	[tilespmem:$0x4600] =	vst v63  }
0x6a: {  	_ =	swait.ge [sflag:s7], $0x2000  }
0x6b: {  	[sflag:s7] =	ssyncset.done $0x0  }
0x6c: {  	[sflag:s7] =	ssyncadd.s32 $0xFFFFE000  }
0x6d: {  	_ =	sfence.sel $0x180000  }
0x6e: {  	[bflag:$0x0] =	sbarrier.arrive $0xFFFF  }
0x6f: {  	p0 =	sne.s32 s0, $0x0;
	_ =	strace $0x90000047  }
0x70: {  	s0 =	sadd.s32 @!p0 $0x100000, s1;
	[bflag:$0x2] =	sbarrier.arrive $0xFFFF  }
0x71: {  	[sflag:s0] =	ssyncadd.tile.s32 @!p0 $0x1;
	_ =	shalt  }
.Lfunc_end2:
_tile_overlayer_lowered:
.L_overlay_start_2:
0x72: {  	(tag) =	ssettag $0x2  }
0x73: {  	s0 =	rddreg [dreg:$0x0];
	s2 =	stileid.u32  }
0x74: {  	s1 =	rddreg [dreg:$0x1];
	p0 =	sne.s32 s2, $0x0  }
0x75: {  	s3 =	rddreg [dreg:$0x2];
	[bflag:$0x3] =	sbarrier.arrive $0xFFFF;
	s2 =	simm.s32 @!p0 $0x1C02  }
0x76: {  	[timem:s3], [sflag:s2] =	dma.local @!p0 [hbm:s0], s1  }
0x77: {  	s0 =	simm.s32 @!p0 $0x2  }
0x78: {  	_ =	swait.ge @!p0 [sflag:s0], s1  }
0x79: {  	s1 =	ssub.s32 @!p0 $0x0, s1;
	[sflag:s0] =	ssyncset.done @!p0 $0x0  }
0x7a: {  	[sflag:s0] =	ssyncadd.s32 @!p0 s1  }
0x7b: {  	[bflag:$0x3] =	sbarrier.arrive $0xFFFF  }
0x7c: {  	_ =	shalt  }

</sc_bundles>
